<compile_context>
chip_gen: v7x
topology: tpu7x:2x2x1
jax: 0.10.2.dev20260603
libtpu: 0.0.44.dev20260713+nightly
codegen_flags: <defaults>
</compile_context>

<pallas_src>
import functools

import jax
import jax.numpy as jnp
from jax import lax
from jax.experimental import pallas as pl
from jax.experimental.pallas import tpu as pltpu
from jax.experimental.pallas import tpu_sc as plsc

N_NODES = 10000
N_EDGES = 320000
D_IN = 128
D_HID = 128
D_OUT = 64

NC = 2
NS = 16
NW = NC * NS
NPAD = 10240
ROWS_PER_TILE = NPAD // NS
DUMMY = N_NODES
CH = 128
NCHUNK = 80
EPW = NCHUNK * CH
EPAD = EPW * NW

_mesh = plsc.VectorSubcoreMesh(core_axis_name="c", subcore_axis_name="s")


@functools.partial(
    pl.kernel,
    out_type=jax.ShapeDtypeStruct((NW, NPAD), jnp.float32),
    mesh=_mesh,
    scratch_types=[
        pltpu.VMEM((EPW,), jnp.int32),
        pltpu.VMEM((NPAD,), jnp.float32),
    ],
    compiler_params=pltpu.CompilerParams(needs_layout_passes=False),
)
def _deg_kernel(dst_hbm, zeros_hbm, out_hbm, idx_v, hist_v):
    cid = lax.axis_index("c")
    sid = lax.axis_index("s")
    wid = cid * NS + sid
    pltpu.sync_copy(zeros_hbm, hist_v)
    pltpu.sync_copy(dst_hbm.at[wid], idx_v)
    ones16 = jnp.ones((16,), jnp.float32)

    def body(j, _):
        iv = idx_v[pl.ds(j * 16, 16)]
        plsc.addupdate_scatter(hist_v, [iv], ones16)
        return 0

    lax.fori_loop(0, EPW // 16, body, 0)
    pltpu.sync_copy(hist_v, out_hbm.at[wid])


@functools.partial(
    pl.kernel,
    out_type=jax.ShapeDtypeStruct((NC, NPAD, D_HID), jnp.float32),
    mesh=_mesh,
    scratch_types=[
        pltpu.VMEM((CH,), jnp.int32),
        pltpu.VMEM((CH,), jnp.int32),
        pltpu.VMEM((CH, D_HID), jnp.float32),
        pltpu.VMEM_SHARED((NPAD, D_HID), jnp.float32),
        pltpu.SemaphoreType.DMA,
    ],
)
def _prop_kernel(h_hbm, src_hbm, dst_hbm, zeros_hbm, out_hbm,
                 src_v, dst_v, rows_v, acc_sh, sem):
    cid = lax.axis_index("c")
    sid = lax.axis_index("s")
    wid = cid * NS + sid
    base = sid * ROWS_PER_TILE
    pltpu.sync_copy(zeros_hbm.at[pl.ds(base, ROWS_PER_TILE)],
                    acc_sh.at[pl.ds(base, ROWS_PER_TILE)])
    plsc.subcore_barrier()

    def body(j, _):
        pltpu.sync_copy(src_hbm.at[wid, j], src_v)
        pltpu.sync_copy(dst_hbm.at[wid, j], dst_v)
        pltpu.async_copy(h_hbm.at[src_v], rows_v, sem).wait()
        pltpu.sync_copy(rows_v, acc_sh.at[dst_v], add=True)
        return 0

    lax.fori_loop(0, NCHUNK, body, 0)
    plsc.subcore_barrier()
    pltpu.sync_copy(acc_sh.at[pl.ds(base, ROWS_PER_TILE)],
                    out_hbm.at[cid, pl.ds(base, ROWS_PER_TILE)])


_BLK = 2048
_GRID = NPAD // _BLK
_BN_SCALE = 1.0 / (1.0 + 1e-5) ** 0.5


def _dis_from_deg(deg_blk):
    ones_col = jnp.ones((NW, 1), jnp.float32)
    s = lax.dot_general(deg_blk, ones_col, (((0,), (0,)), ((), ())),
                        preferred_element_type=jnp.float32)
    return lax.rsqrt(s + 1.0)


def _tc1_body(x_ref, deg_ref, w1_ref, o_ref):
    dis = _dis_from_deg(deg_ref[...])
    xc = jnp.nan_to_num(x_ref[...], nan=0.0)
    h = jnp.dot(xc, w1_ref[...], preferred_element_type=jnp.float32)
    o_ref[...] = h * dis


def _tc2_body(acc_ref, hp_ref, deg_ref, b_ref, g_ref, be_ref, w2_ref, o_ref):
    dis = _dis_from_deg(deg_ref[...])
    t = dis * (acc_ref[0] + acc_ref[1] + hp_ref[...]) + b_ref[...][None, :]
    t = t * (g_ref[...] * _BN_SCALE)[None, :] + be_ref[...][None, :]
    t = jnp.maximum(t, 0.0)
    o_ref[...] = jnp.dot(t, w2_ref[...], preferred_element_type=jnp.float32) * dis


def _tc3_body(acc_ref, hp_ref, deg_ref, b_ref, g_ref, be_ref,
              wc1_ref, bc1_ref, wc2_ref, bc2_ref, o_ref, colsum):
    i = pl.program_id(0)
    dis = _dis_from_deg(deg_ref[...])
    t = dis * (acc_ref[0] + acc_ref[1] + hp_ref[...]) + b_ref[...][None, :]
    t = t * (g_ref[...] * _BN_SCALE)[None, :] + be_ref[...][None, :]
    t = jnp.maximum(t, 0.0)
    row = i * _BLK + lax.broadcasted_iota(jnp.int32, (_BLK, 1), 0)
    t = jnp.where(row < N_NODES, t, 0.0)
    part = jnp.sum(t, axis=0, keepdims=True)

    @pl.when(i == 0)
    def _():
        colsum[...] = part

    @pl.when(i > 0)
    def _():
        colsum[...] = colsum[...] + part

    @pl.when(i == _GRID - 1)
    def _():
        g = colsum[...] * (1.0 / N_NODES)
        u = jnp.dot(g, wc1_ref[...], preferred_element_type=jnp.float32)
        u = jnp.maximum(u + bc1_ref[...][None, :], 0.0)
        v = jnp.dot(u, wc2_ref[...], preferred_element_type=jnp.float32)
        o_ref[...] = v + bc2_ref[...][None, :]


def _rows_spec():
    return pl.BlockSpec((_BLK, D_HID), lambda i: (i, 0))


def _acc_spec():
    return pl.BlockSpec((NC, _BLK, D_HID), lambda i: (0, i, 0))


def _deg_spec():
    return pl.BlockSpec((NW, _BLK), lambda i: (0, i))


def _full_spec(*shape):
    return pl.BlockSpec(shape, lambda i: tuple(0 for _ in shape))


def kernel(x, edge_index, W1, b1, gamma1, beta1, W2, b2, gamma2, beta2,
           Wc1, bc1, Wc2, bc2):
    x = x.astype(jnp.float32)
    src = edge_index[0].astype(jnp.int32)
    dst = edge_index[1].astype(jnp.int32)
    pad = EPAD - N_EDGES
    src = jnp.concatenate([src, jnp.zeros((pad,), jnp.int32)])
    dst = jnp.concatenate([dst, jnp.full((pad,), DUMMY, jnp.int32)])
    src3 = src.reshape(NW, NCHUNK, CH)
    dst3 = dst.reshape(NW, NCHUNK, CH)
    dst2 = dst.reshape(NW, EPW)
    xp = jnp.zeros((NPAD, D_IN), jnp.float32).at[:N_NODES].set(x)
    zeros1 = jnp.zeros((NPAD,), jnp.float32)
    zeros2 = jnp.zeros((NPAD, D_HID), jnp.float32)

    deg = _deg_kernel(dst2, zeros1)

    h1p = pl.pallas_call(
        _tc1_body,
        grid=(_GRID,),
        in_specs=[_rows_spec(), _deg_spec(), _full_spec(D_IN, D_HID)],
        out_specs=_rows_spec(),
        out_shape=jax.ShapeDtypeStruct((NPAD, D_HID), jnp.float32),
    )(xp, deg, W1)

    acc1 = _prop_kernel(h1p, src3, dst3, zeros2)

    h2p = pl.pallas_call(
        _tc2_body,
        grid=(_GRID,),
        in_specs=[_acc_spec(), _rows_spec(), _deg_spec(),
                  _full_spec(D_HID), _full_spec(D_HID), _full_spec(D_HID),
                  _full_spec(D_HID, D_HID)],
        out_specs=_rows_spec(),
        out_shape=jax.ShapeDtypeStruct((NPAD, D_HID), jnp.float32),
    )(acc1, h1p, deg, b1, gamma1, beta1, W2)

    acc2 = _prop_kernel(h2p, src3, dst3, zeros2)

    out = pl.pallas_call(
        _tc3_body,
        grid=(_GRID,),
        in_specs=[_acc_spec(), _rows_spec(), _deg_spec(),
                  _full_spec(D_HID), _full_spec(D_HID), _full_spec(D_HID),
                  _full_spec(D_HID, D_HID // 2), _full_spec(D_HID // 2),
                  _full_spec(D_HID // 2, D_OUT), _full_spec(D_OUT)],
        out_specs=_full_spec(1, D_OUT),
        out_shape=jax.ShapeDtypeStruct((1, D_OUT), jnp.float32),
        scratch_shapes=[pltpu.VMEM((1, D_HID), jnp.float32)],
    )(acc2, h2p, deg, b2, gamma2, beta2, Wc1, bc1, Wc2, bc2)

    return out

# --- scband reference (transcript-rebuilt; emitter-appended) ---
"""Pipeline reference for scband-robust-gnn-77326591197817 (READ-ONLY COPY).

The authoritative reference and input builder live on the scoring server;
editing this copy changes nothing except your own understanding.
"""

import jax, jax.numpy as jnp
import numpy as np

N_NODES = 10000
N_EDGES = 320000
D_IN = 128
D_HID = 128
D_OUT = 64


def gcn_conv(x, edge_index, W, b):
    # PyG GCNConv: add self-loops, symmetric degree normalization, linear transform, scatter-add
    src = edge_index[0]
    dst = edge_index[1]
    loop = jnp.arange(N_NODES, dtype=edge_index.dtype)
    s = jnp.concatenate([src, loop])
    d = jnp.concatenate([dst, loop])
    deg = jnp.zeros((N_NODES,), dtype=x.dtype).at[d].add(1.0)
    deg_inv_sqrt = jnp.where(deg > 0, 1.0 / jnp.sqrt(deg), 0.0)
    norm = deg_inv_sqrt[s] * deg_inv_sqrt[d]
    h = x @ W
    msg = h[s] * norm[:, None]
    out = jnp.zeros((N_NODES, W.shape[1]), dtype=x.dtype).at[d].add(msg)
    return out + b


def bn_eval(x, gamma, beta, eps=1e-5):
    # BatchNorm1d in eval mode with running_mean=0, running_var=1
    return x / jnp.sqrt(1.0 + eps) * gamma + beta


def setup_inputs(seed: int = 0) -> dict:
    key = jax.random.key(seed)
    ks = jax.random.split(key, 12)
    x = jax.random.normal(ks[0], (N_NODES, D_IN), dtype=jnp.float32)
    edge_index = jax.random.randint(ks[1], (2, N_EDGES), 0, N_NODES, dtype=jnp.int64)
    W1 = jax.random.normal(ks[2], (D_IN, D_HID), dtype=jnp.float32) * (1.0 / np.sqrt(D_IN))
    b1 = jnp.zeros((D_HID,), dtype=jnp.float32)
    gamma1 = jnp.ones((D_HID,), dtype=jnp.float32)
    beta1 = jnp.zeros((D_HID,), dtype=jnp.float32)
    W2 = jax.random.normal(ks[3], (D_HID, D_HID), dtype=jnp.float32) * (1.0 / np.sqrt(D_HID))
    b2 = jnp.zeros((D_HID,), dtype=jnp.float32)
    gamma2 = jnp.ones((D_HID,), dtype=jnp.float32)
    beta2 = jnp.zeros((D_HID,), dtype=jnp.float32)
    Wc1 = jax.random.normal(ks[4], (D_HID, D_HID // 2), dtype=jnp.float32) * (1.0 / np.sqrt(D_HID))
    bc1 = jnp.zeros((D_HID // 2,), dtype=jnp.float32)
    Wc2 = jax.random.normal(ks[5], (D_HID // 2, D_OUT), dtype=jnp.float32) * (1.0 / np.sqrt(D_HID // 2))
    bc2 = jnp.zeros((D_OUT,), dtype=jnp.float32)
    return {"x": x, "edge_index": edge_index, "W1": W1, "b1": b1, "gamma1": gamma1,
            "beta1": beta1, "W2": W2, "b2": b2, "gamma2": gamma2, "beta2": beta2,
            "Wc1": Wc1, "bc1": bc1, "Wc2": Wc2, "bc2": bc2}


def reference(x, edge_index, W1, b1, gamma1, beta1, W2, b2, gamma2, beta2, Wc1, bc1, Wc2, bc2):
    x = jnp.nan_to_num(x, nan=0.0)
    # layer 1
    h = gcn_conv(x, edge_index, W1, b1)
    h = bn_eval(h, gamma1, beta1)
    h = jax.nn.relu(h)
    h = jnp.nan_to_num(h, nan=0.0)
    # layer 2
    h = gcn_conv(h, edge_index, W2, b2)
    h = bn_eval(h, gamma2, beta2)
    h = jax.nn.relu(h)
    h = jnp.nan_to_num(h, nan=0.0)
    # global mean pool (batch is None)
    g = jnp.mean(h, axis=0, keepdims=True)
    g = jnp.nan_to_num(g, nan=0.0)
    # classifier
    out = jax.nn.relu(g @ Wc1 + bc1)
    out = out @ Wc2 + bc2
    out = jnp.nan_to_num(out, nan=0.0)
    return out

if __name__ == "__main__":
    import jax
    _d = setup_inputs()
    print(jax.jit(kernel)(*tuple(_d.values())))

</pallas_src>

<mosaic_0001>
#map = affine_map<(d0, d1) -> (0, 0)>
#map1 = affine_map<(d0, d1) -> (0, 0, 0)>
module attributes {stable_mosaic.version = 14 : i64} {
  func.func @_prop_kernel(%arg0: i32, %arg1: i32, %arg2: memref<10240x128xf32, #tpu.memory_space<hbm>>, %arg3: memref<32x80x128xi32, #tpu.memory_space<hbm>>, %arg4: memref<32x80x128xi32, #tpu.memory_space<hbm>>, %arg5: memref<10240x128xf32, #tpu.memory_space<hbm>>, %arg6: memref<2x10240x128xf32, #tpu.memory_space<hbm>>, %arg7: memref<128xi32, #tpu.memory_space<vmem>>, %arg8: memref<128xi32, #tpu.memory_space<vmem>>, %arg9: memref<128x128xf32, #tpu.memory_space<vmem>>, %arg10: memref<10240x128xf32, #tpu.memory_space<vmem_shared>>, %arg11: memref<!tpu.dma_semaphore, #tpu.memory_space<semaphore_mem>>) attributes {dimension_semantics = [#tpu.dimension_semantics<core_parallel>, #tpu.dimension_semantics<subcore_parallel>], iteration_bounds = array<i64: 2, 16>, scalar_prefetch = 0 : i64, scratch_operands = 5 : i64, tpu.core_type = #tpu.core_type<sc_vector_subcore>, window_params = [{transform_indices = #map}, {transform_indices = #map1}, {transform_indices = #map1}, {transform_indices = #map}, {transform_indices = #map1}]} {
    %mul3A = arith.constant 16 : i32
    %mul3A_0 = arith.muli %arg0, %mul3A : i32
    %add3A = arith.addi %mul3A_0, %arg1 : i32
    %mul3A_1 = arith.constant 640 : i32
    %mul3A_2 = arith.muli %arg1, %mul3A_1 : i32
    "tpu.region"() ({
      %run_scoped3A = tpu.sem_alloc : memref<!tpu.dma_semaphore, #tpu.memory_space<semaphore_mem>>
      %dma_start3A = arith.constant 0 : i32
      %dma_start3A_10 = tpu.memref_slice %arg10[%mul3A_2, %dma_start3A] : memref<10240x128xf32, #tpu.memory_space<vmem_shared>> -> memref<640x128xf32, #tpu.memory_space<vmem_shared>>
      %dma_start3A_11 = arith.constant 0 : i32
      %dma_start3A_12 = tpu.memref_slice %arg5[%mul3A_2, %dma_start3A_11] : memref<10240x128xf32, #tpu.memory_space<hbm>> -> memref<640x128xf32, #tpu.memory_space<hbm>>
      tpu.enqueue_dma source(%dma_start3A_12 : memref<640x128xf32, #tpu.memory_space<hbm>>) target(%dma_start3A_10 : memref<640x128xf32, #tpu.memory_space<vmem_shared>>) target_semaphore(%run_scoped3A : memref<!tpu.dma_semaphore, #tpu.memory_space<semaphore_mem>>)
      %dma_wait3A = arith.constant 0 : i32
      %dma_wait3A_13 = tpu.memref_slice %arg10[%mul3A_2, %dma_wait3A] : memref<10240x128xf32, #tpu.memory_space<vmem_shared>> -> memref<640x128xf32, #tpu.memory_space<vmem_shared>>
      %dma_wait3A_14 = arith.constant 0 : i32
      %dma_wait3A_15 = tpu.memref_slice %arg5[%mul3A_2, %dma_wait3A_14] : memref<10240x128xf32, #tpu.memory_space<hbm>> -> memref<640x128xf32, #tpu.memory_space<hbm>>
      tpu.wait_dma2 semaphore(%run_scoped3A : memref<!tpu.dma_semaphore, #tpu.memory_space<semaphore_mem>>) src(%dma_wait3A_15 : memref<640x128xf32, #tpu.memory_space<hbm>>) dst(%dma_wait3A_13 : memref<640x128xf32, #tpu.memory_space<vmem_shared>>)
      tpu.yield
    }) : () -> ()
    %barrier3A = arith.constant 0 : index
    tpu.barrier barrier_id(%barrier3A)
    %scan3A = arith.constant 0 : i32
    %scan3A_3 = arith.constant 0 : i32
    %scan3A_4 = arith.constant 80 : i32
    %scan3A_5 = arith.addi %scan3A_3, %scan3A_4 : i32
    %scan3A_6 = arith.constant 1 : i32
    %scan3A_7 = scf.for %scan3A_10 = %scan3A_3 to %scan3A_5 step %scan3A_6 iter_args(%scan3A_11 = %scan3A) -> (i32)  : i32 {
      "tpu.region"() ({
        %run_scoped3A = tpu.sem_alloc : memref<!tpu.dma_semaphore, #tpu.memory_space<semaphore_mem>>
        %dma_start3A_17 = arith.constant 0 : i32
        %dma_start3A_18 = tpu.memref_slice %arg3[%add3A, %scan3A_10, %dma_start3A_17] : memref<32x80x128xi32, #tpu.memory_space<hbm>> -> memref<1x1x128xi32, #tpu.memory_space<hbm>>
        %dma_start3A_19 = tpu.memref_squeeze %dma_start3A_18 : memref<1x1x128xi32, #tpu.memory_space<hbm>> -> memref<128xi32, #tpu.memory_space<hbm>>
        %dma_start3A_20 = arith.constant 0 : i32
        %dma_start3A_21 = tpu.memref_slice %arg3[%add3A, %scan3A_10, %dma_start3A_20] : memref<32x80x128xi32, #tpu.memory_space<hbm>> -> memref<1x1x128xi32, #tpu.memory_space<hbm>>
        %dma_start3A_22 = tpu.memref_squeeze %dma_start3A_21 : memref<1x1x128xi32, #tpu.memory_space<hbm>> -> memref<128xi32, #tpu.memory_space<hbm>>
        tpu.enqueue_dma source(%dma_start3A_22 : memref<128xi32, #tpu.memory_space<hbm>>) target(%arg7 : memref<128xi32, #tpu.memory_space<vmem>>) target_semaphore(%run_scoped3A : memref<!tpu.dma_semaphore, #tpu.memory_space<semaphore_mem>>)
        %dma_wait3A_23 = arith.constant 0 : i32
        %dma_wait3A_24 = tpu.memref_slice %arg3[%add3A, %scan3A_10, %dma_wait3A_23] : memref<32x80x128xi32, #tpu.memory_space<hbm>> -> memref<1x1x128xi32, #tpu.memory_space<hbm>>
        %dma_wait3A_25 = tpu.memref_squeeze %dma_wait3A_24 : memref<1x1x128xi32, #tpu.memory_space<hbm>> -> memref<128xi32, #tpu.memory_space<hbm>>
        %dma_wait3A_26 = arith.constant 0 : i32
        %dma_wait3A_27 = tpu.memref_slice %arg3[%add3A, %scan3A_10, %dma_wait3A_26] : memref<32x80x128xi32, #tpu.memory_space<hbm>> -> memref<1x1x128xi32, #tpu.memory_space<hbm>>
        %dma_wait3A_28 = tpu.memref_squeeze %dma_wait3A_27 : memref<1x1x128xi32, #tpu.memory_space<hbm>> -> memref<128xi32, #tpu.memory_space<hbm>>
        tpu.wait_dma2 semaphore(%run_scoped3A : memref<!tpu.dma_semaphore, #tpu.memory_space<semaphore_mem>>) src(%dma_wait3A_28 : memref<128xi32, #tpu.memory_space<hbm>>) dst(%arg7 : memref<128xi32, #tpu.memory_space<vmem>>)
        tpu.yield
      }) : () -> ()
      "tpu.region"() ({
        %run_scoped3A = tpu.sem_alloc : memref<!tpu.dma_semaphore, #tpu.memory_space<semaphore_mem>>
        %dma_start3A_17 = arith.constant 0 : i32
        %dma_start3A_18 = tpu.memref_slice %arg4[%add3A, %scan3A_10, %dma_start3A_17] : memref<32x80x128xi32, #tpu.memory_space<hbm>> -> memref<1x1x128xi32, #tpu.memory_space<hbm>>
        %dma_start3A_19 = tpu.memref_squeeze %dma_start3A_18 : memref<1x1x128xi32, #tpu.memory_space<hbm>> -> memref<128xi32, #tpu.memory_space<hbm>>
        %dma_start3A_20 = arith.constant 0 : i32
        %dma_start3A_21 = tpu.memref_slice %arg4[%add3A, %scan3A_10, %dma_start3A_20] : memref<32x80x128xi32, #tpu.memory_space<hbm>> -> memref<1x1x128xi32, #tpu.memory_space<hbm>>
        %dma_start3A_22 = tpu.memref_squeeze %dma_start3A_21 : memref<1x1x128xi32, #tpu.memory_space<hbm>> -> memref<128xi32, #tpu.memory_space<hbm>>
        tpu.enqueue_dma source(%dma_start3A_22 : memref<128xi32, #tpu.memory_space<hbm>>) target(%arg8 : memref<128xi32, #tpu.memory_space<vmem>>) target_semaphore(%run_scoped3A : memref<!tpu.dma_semaphore, #tpu.memory_space<semaphore_mem>>)
        %dma_wait3A_23 = arith.constant 0 : i32
        %dma_wait3A_24 = tpu.memref_slice %arg4[%add3A, %scan3A_10, %dma_wait3A_23] : memref<32x80x128xi32, #tpu.memory_space<hbm>> -> memref<1x1x128xi32, #tpu.memory_space<hbm>>
        %dma_wait3A_25 = tpu.memref_squeeze %dma_wait3A_24 : memref<1x1x128xi32, #tpu.memory_space<hbm>> -> memref<128xi32, #tpu.memory_space<hbm>>
        %dma_wait3A_26 = arith.constant 0 : i32
        %dma_wait3A_27 = tpu.memref_slice %arg4[%add3A, %scan3A_10, %dma_wait3A_26] : memref<32x80x128xi32, #tpu.memory_space<hbm>> -> memref<1x1x128xi32, #tpu.memory_space<hbm>>
        %dma_wait3A_28 = tpu.memref_squeeze %dma_wait3A_27 : memref<1x1x128xi32, #tpu.memory_space<hbm>> -> memref<128xi32, #tpu.memory_space<hbm>>
        tpu.wait_dma2 semaphore(%run_scoped3A : memref<!tpu.dma_semaphore, #tpu.memory_space<semaphore_mem>>) src(%dma_wait3A_28 : memref<128xi32, #tpu.memory_space<hbm>>) dst(%arg8 : memref<128xi32, #tpu.memory_space<vmem>>)
        tpu.yield
      }) : () -> ()
      %dma_start3A = arith.constant 0 : i32
      %dma_start3A_12 = arith.constant 0 : i32
      %dma_start3A_13 = tpu.memref_slice %arg2[%dma_start3A, %dma_start3A_12] : memref<10240x128xf32, #tpu.memory_space<hbm>> -> memref<10240x128xf32, #tpu.memory_space<hbm>>
      tpu.enqueue_indirect_dma source(%dma_start3A_13 : memref<10240x128xf32, #tpu.memory_space<hbm>>) target(%arg9 : memref<128x128xf32, #tpu.memory_space<vmem>>) offsets(%arg7 : memref<128xi32, #tpu.memory_space<vmem>>) semaphore(%arg11 : memref<!tpu.dma_semaphore, #tpu.memory_space<semaphore_mem>>)
      %dma_wait3A = arith.constant 0 : i32
      %dma_wait3A_14 = arith.constant 0 : i32
      %dma_wait3A_15 = tpu.memref_slice %arg2[%dma_wait3A, %dma_wait3A_14] : memref<10240x128xf32, #tpu.memory_space<hbm>> -> memref<10240x128xf32, #tpu.memory_space<hbm>>
      tpu.wait_indirect_dma semaphore(%arg11 : memref<!tpu.dma_semaphore, #tpu.memory_space<semaphore_mem>>) src(%dma_wait3A_15 : memref<10240x128xf32, #tpu.memory_space<hbm>>) dst(%arg9 : memref<128x128xf32, #tpu.memory_space<vmem>>)
      "tpu.region"() ({
        %run_scoped3A = tpu.sem_alloc : memref<!tpu.dma_semaphore, #tpu.memory_space<semaphore_mem>>
        %dma_start3A_17 = arith.constant 0 : i32
        %dma_start3A_18 = arith.constant 0 : i32
        %dma_start3A_19 = tpu.memref_slice %arg10[%dma_start3A_17, %dma_start3A_18] : memref<10240x128xf32, #tpu.memory_space<vmem_shared>> -> memref<10240x128xf32, #tpu.memory_space<vmem_shared>>
        tpu.enqueue_indirect_dma source(%arg9 : memref<128x128xf32, #tpu.memory_space<vmem>>) target(%dma_start3A_19 : memref<10240x128xf32, #tpu.memory_space<vmem_shared>>) offsets(%arg8 : memref<128xi32, #tpu.memory_space<vmem>>) semaphore(%run_scoped3A : memref<!tpu.dma_semaphore, #tpu.memory_space<semaphore_mem>>) {add = true}
        %dma_wait3A_20 = arith.constant 0 : i32
        %dma_wait3A_21 = arith.constant 0 : i32
        %dma_wait3A_22 = tpu.memref_slice %arg10[%dma_wait3A_20, %dma_wait3A_21] : memref<10240x128xf32, #tpu.memory_space<vmem_shared>> -> memref<10240x128xf32, #tpu.memory_space<vmem_shared>>
        tpu.wait_indirect_dma semaphore(%run_scoped3A : memref<!tpu.dma_semaphore, #tpu.memory_space<semaphore_mem>>) src(%arg9 : memref<128x128xf32, #tpu.memory_space<vmem>>) dst(%dma_wait3A_22 : memref<10240x128xf32, #tpu.memory_space<vmem_shared>>)
        tpu.yield
      }) : () -> ()
      %scan3A_16 = arith.constant 0 : i32
      scf.yield %scan3A_16 : i32
    }
    %scan3A_8 = arith.constant 80 : i32
    %barrier3A_9 = arith.constant 0 : index
    tpu.barrier barrier_id(%barrier3A_9)
    "tpu.region"() ({
      %run_scoped3A = tpu.sem_alloc : memref<!tpu.dma_semaphore, #tpu.memory_space<semaphore_mem>>
      %dma_start3A = arith.constant 0 : i32
      %dma_start3A_10 = tpu.memref_slice %arg6[%arg0, %mul3A_2, %dma_start3A] : memref<2x10240x128xf32, #tpu.memory_space<hbm>> -> memref<1x640x128xf32, #tpu.memory_space<hbm>>
      %dma_start3A_11 = tpu.memref_squeeze %dma_start3A_10 : memref<1x640x128xf32, #tpu.memory_space<hbm>> -> memref<640x128xf32, #tpu.memory_space<hbm>>
      %dma_start3A_12 = arith.constant 0 : i32
      %dma_start3A_13 = tpu.memref_slice %arg10[%mul3A_2, %dma_start3A_12] : memref<10240x128xf32, #tpu.memory_space<vmem_shared>> -> memref<640x128xf32, #tpu.memory_space<vmem_shared>>
      tpu.enqueue_dma source(%dma_start3A_13 : memref<640x128xf32, #tpu.memory_space<vmem_shared>>) target(%dma_start3A_11 : memref<640x128xf32, #tpu.memory_space<hbm>>) target_semaphore(%run_scoped3A : memref<!tpu.dma_semaphore, #tpu.memory_space<semaphore_mem>>)
      %dma_wait3A = arith.constant 0 : i32
      %dma_wait3A_14 = tpu.memref_slice %arg6[%arg0, %mul3A_2, %dma_wait3A] : memref<2x10240x128xf32, #tpu.memory_space<hbm>> -> memref<1x640x128xf32, #tpu.memory_space<hbm>>
      %dma_wait3A_15 = tpu.memref_squeeze %dma_wait3A_14 : memref<1x640x128xf32, #tpu.memory_space<hbm>> -> memref<640x128xf32, #tpu.memory_space<hbm>>
      %dma_wait3A_16 = arith.constant 0 : i32
      %dma_wait3A_17 = tpu.memref_slice %arg10[%mul3A_2, %dma_wait3A_16] : memref<10240x128xf32, #tpu.memory_space<vmem_shared>> -> memref<640x128xf32, #tpu.memory_space<vmem_shared>>
      tpu.wait_dma2 semaphore(%run_scoped3A : memref<!tpu.dma_semaphore, #tpu.memory_space<semaphore_mem>>) src(%dma_wait3A_17 : memref<640x128xf32, #tpu.memory_space<vmem_shared>>) dst(%dma_wait3A_15 : memref<640x128xf32, #tpu.memory_space<hbm>>)
      tpu.yield
    }) : () -> ()
    return
  }
}

#map = affine_map<(d0, d1) -> (0, 0)>
#map1 = affine_map<(d0, d1) -> (0, 0, 0)>
module attributes {stable_mosaic.version = 14 : i64} {
  func.func @_prop_kernel(%arg0: i32, %arg1: i32, %arg2: memref<10240x128xf32, #tpu.memory_space<hbm>>, %arg3: memref<32x80x128xi32, #tpu.memory_space<hbm>>, %arg4: memref<32x80x128xi32, #tpu.memory_space<hbm>>, %arg5: memref<10240x128xf32, #tpu.memory_space<hbm>>, %arg6: memref<2x10240x128xf32, #tpu.memory_space<hbm>>, %arg7: memref<128xi32, #tpu.memory_space<vmem>>, %arg8: memref<128xi32, #tpu.memory_space<vmem>>, %arg9: memref<128x128xf32, #tpu.memory_space<vmem>>, %arg10: memref<10240x128xf32, #tpu.memory_space<vmem_shared>>, %arg11: memref<!tpu.dma_semaphore, #tpu.memory_space<semaphore_mem>>) attributes {dimension_semantics = [#tpu.dimension_semantics<core_parallel>, #tpu.dimension_semantics<subcore_parallel>], iteration_bounds = array<i64: 2, 16>, scalar_prefetch = 0 : i64, scratch_operands = 5 : i64, tpu.core_type = #tpu.core_type<sc_vector_subcore>, window_params = [{transform_indices = #map}, {transform_indices = #map1}, {transform_indices = #map1}, {transform_indices = #map}, {transform_indices = #map1}]} {
    %mul3A = arith.constant 16 : i32
    %mul3A_0 = arith.muli %arg0, %mul3A : i32
    %add3A = arith.addi %mul3A_0, %arg1 : i32
    %mul3A_1 = arith.constant 640 : i32
    %mul3A_2 = arith.muli %arg1, %mul3A_1 : i32
    "tpu.region"() ({
      %run_scoped3A = tpu.sem_alloc : memref<!tpu.dma_semaphore, #tpu.memory_space<semaphore_mem>>
      %dma_start3A = arith.constant 0 : i32
      %dma_start3A_10 = tpu.memref_slice %arg10[%mul3A_2, %dma_start3A] : memref<10240x128xf32, #tpu.memory_space<vmem_shared>> -> memref<640x128xf32, #tpu.memory_space<vmem_shared>>
      %dma_start3A_11 = arith.constant 0 : i32
      %dma_start3A_12 = tpu.memref_slice %arg5[%mul3A_2, %dma_start3A_11] : memref<10240x128xf32, #tpu.memory_space<hbm>> -> memref<640x128xf32, #tpu.memory_space<hbm>>
      tpu.enqueue_dma source(%dma_start3A_12 : memref<640x128xf32, #tpu.memory_space<hbm>>) target(%dma_start3A_10 : memref<640x128xf32, #tpu.memory_space<vmem_shared>>) target_semaphore(%run_scoped3A : memref<!tpu.dma_semaphore, #tpu.memory_space<semaphore_mem>>)
      %dma_wait3A = arith.constant 0 : i32
      %dma_wait3A_13 = tpu.memref_slice %arg10[%mul3A_2, %dma_wait3A] : memref<10240x128xf32, #tpu.memory_space<vmem_shared>> -> memref<640x128xf32, #tpu.memory_space<vmem_shared>>
      %dma_wait3A_14 = arith.constant 0 : i32
      %dma_wait3A_15 = tpu.memref_slice %arg5[%mul3A_2, %dma_wait3A_14] : memref<10240x128xf32, #tpu.memory_space<hbm>> -> memref<640x128xf32, #tpu.memory_space<hbm>>
      tpu.wait_dma2 semaphore(%run_scoped3A : memref<!tpu.dma_semaphore, #tpu.memory_space<semaphore_mem>>) src(%dma_wait3A_15 : memref<640x128xf32, #tpu.memory_space<hbm>>) dst(%dma_wait3A_13 : memref<640x128xf32, #tpu.memory_space<vmem_shared>>)
      tpu.yield
    }) : () -> ()
    %barrier3A = arith.constant 0 : index
    tpu.barrier barrier_id(%barrier3A)
    %scan3A = arith.constant 0 : i32
    %scan3A_3 = arith.constant 0 : i32
    %scan3A_4 = arith.constant 80 : i32
    %scan3A_5 = arith.addi %scan3A_3, %scan3A_4 : i32
    %scan3A_6 = arith.constant 1 : i32
    %scan3A_7 = scf.for %scan3A_10 = %scan3A_3 to %scan3A_5 step %scan3A_6 iter_args(%scan3A_11 = %scan3A) -> (i32)  : i32 {
      "tpu.region"() ({
        %run_scoped3A = tpu.sem_alloc : memref<!tpu.dma_semaphore, #tpu.memory_space<semaphore_mem>>
        %dma_start3A_17 = arith.constant 0 : i32
        %dma_start3A_18 = tpu.memref_slice %arg3[%add3A, %scan3A_10, %dma_start3A_17] : memref<32x80x128xi32, #tpu.memory_space<hbm>> -> memref<1x1x128xi32, #tpu.memory_space<hbm>>
        %dma_start3A_19 = tpu.memref_squeeze %dma_start3A_18 : memref<1x1x128xi32, #tpu.memory_space<hbm>> -> memref<128xi32, #tpu.memory_space<hbm>>
        %dma_start3A_20 = arith.constant 0 : i32
        %dma_start3A_21 = tpu.memref_slice %arg3[%add3A, %scan3A_10, %dma_start3A_20] : memref<32x80x128xi32, #tpu.memory_space<hbm>> -> memref<1x1x128xi32, #tpu.memory_space<hbm>>
        %dma_start3A_22 = tpu.memref_squeeze %dma_start3A_21 : memref<1x1x128xi32, #tpu.memory_space<hbm>> -> memref<128xi32, #tpu.memory_space<hbm>>
        tpu.enqueue_dma source(%dma_start3A_22 : memref<128xi32, #tpu.memory_space<hbm>>) target(%arg7 : memref<128xi32, #tpu.memory_space<vmem>>) target_semaphore(%run_scoped3A : memref<!tpu.dma_semaphore, #tpu.memory_space<semaphore_mem>>)
        %dma_wait3A_23 = arith.constant 0 : i32
        %dma_wait3A_24 = tpu.memref_slice %arg3[%add3A, %scan3A_10, %dma_wait3A_23] : memref<32x80x128xi32, #tpu.memory_space<hbm>> -> memref<1x1x128xi32, #tpu.memory_space<hbm>>
        %dma_wait3A_25 = tpu.memref_squeeze %dma_wait3A_24 : memref<1x1x128xi32, #tpu.memory_space<hbm>> -> memref<128xi32, #tpu.memory_space<hbm>>
        %dma_wait3A_26 = arith.constant 0 : i32
        %dma_wait3A_27 = tpu.memref_slice %arg3[%add3A, %scan3A_10, %dma_wait3A_26] : memref<32x80x128xi32, #tpu.memory_space<hbm>> -> memref<1x1x128xi32, #tpu.memory_space<hbm>>
        %dma_wait3A_28 = tpu.memref_squeeze %dma_wait3A_27 : memref<1x1x128xi32, #tpu.memory_space<hbm>> -> memref<128xi32, #tpu.memory_space<hbm>>
        tpu.wait_dma2 semaphore(%run_scoped3A : memref<!tpu.dma_semaphore, #tpu.memory_space<semaphore_mem>>) src(%dma_wait3A_28 : memref<128xi32, #tpu.memory_space<hbm>>) dst(%arg7 : memref<128xi32, #tpu.memory_space<vmem>>)
        tpu.yield
      }) : () -> ()
      "tpu.region"() ({
        %run_scoped3A = tpu.sem_alloc : memref<!tpu.dma_semaphore, #tpu.memory_space<semaphore_mem>>
        %dma_start3A_17 = arith.constant 0 : i32
        %dma_start3A_18 = tpu.memref_slice %arg4[%add3A, %scan3A_10, %dma_start3A_17] : memref<32x80x128xi32, #tpu.memory_space<hbm>> -> memref<1x1x128xi32, #tpu.memory_space<hbm>>
        %dma_start3A_19 = tpu.memref_squeeze %dma_start3A_18 : memref<1x1x128xi32, #tpu.memory_space<hbm>> -> memref<128xi32, #tpu.memory_space<hbm>>
        %dma_start3A_20 = arith.constant 0 : i32
        %dma_start3A_21 = tpu.memref_slice %arg4[%add3A, %scan3A_10, %dma_start3A_20] : memref<32x80x128xi32, #tpu.memory_space<hbm>> -> memref<1x1x128xi32, #tpu.memory_space<hbm>>
        %dma_start3A_22 = tpu.memref_squeeze %dma_start3A_21 : memref<1x1x128xi32, #tpu.memory_space<hbm>> -> memref<128xi32, #tpu.memory_space<hbm>>
        tpu.enqueue_dma source(%dma_start3A_22 : memref<128xi32, #tpu.memory_space<hbm>>) target(%arg8 : memref<128xi32, #tpu.memory_space<vmem>>) target_semaphore(%run_scoped3A : memref<!tpu.dma_semaphore, #tpu.memory_space<semaphore_mem>>)
        %dma_wait3A_23 = arith.constant 0 : i32
        %dma_wait3A_24 = tpu.memref_slice %arg4[%add3A, %scan3A_10, %dma_wait3A_23] : memref<32x80x128xi32, #tpu.memory_space<hbm>> -> memref<1x1x128xi32, #tpu.memory_space<hbm>>
        %dma_wait3A_25 = tpu.memref_squeeze %dma_wait3A_24 : memref<1x1x128xi32, #tpu.memory_space<hbm>> -> memref<128xi32, #tpu.memory_space<hbm>>
        %dma_wait3A_26 = arith.constant 0 : i32
        %dma_wait3A_27 = tpu.memref_slice %arg4[%add3A, %scan3A_10, %dma_wait3A_26] : memref<32x80x128xi32, #tpu.memory_space<hbm>> -> memref<1x1x128xi32, #tpu.memory_space<hbm>>
        %dma_wait3A_28 = tpu.memref_squeeze %dma_wait3A_27 : memref<1x1x128xi32, #tpu.memory_space<hbm>> -> memref<128xi32, #tpu.memory_space<hbm>>
        tpu.wait_dma2 semaphore(%run_scoped3A : memref<!tpu.dma_semaphore, #tpu.memory_space<semaphore_mem>>) src(%dma_wait3A_28 : memref<128xi32, #tpu.memory_space<hbm>>) dst(%arg8 : memref<128xi32, #tpu.memory_space<vmem>>)
        tpu.yield
      }) : () -> ()
      %dma_start3A = arith.constant 0 : i32
      %dma_start3A_12 = arith.constant 0 : i32
      %dma_start3A_13 = tpu.memref_slice %arg2[%dma_start3A, %dma_start3A_12] : memref<10240x128xf32, #tpu.memory_space<hbm>> -> memref<10240x128xf32, #tpu.memory_space<hbm>>
      tpu.enqueue_indirect_dma source(%dma_start3A_13 : memref<10240x128xf32, #tpu.memory_space<hbm>>) target(%arg9 : memref<128x128xf32, #tpu.memory_space<vmem>>) offsets(%arg7 : memref<128xi32, #tpu.memory_space<vmem>>) semaphore(%arg11 : memref<!tpu.dma_semaphore, #tpu.memory_space<semaphore_mem>>)
      %dma_wait3A = arith.constant 0 : i32
      %dma_wait3A_14 = arith.constant 0 : i32
      %dma_wait3A_15 = tpu.memref_slice %arg2[%dma_wait3A, %dma_wait3A_14] : memref<10240x128xf32, #tpu.memory_space<hbm>> -> memref<10240x128xf32, #tpu.memory_space<hbm>>
      tpu.wait_indirect_dma semaphore(%arg11 : memref<!tpu.dma_semaphore, #tpu.memory_space<semaphore_mem>>) src(%dma_wait3A_15 : memref<10240x128xf32, #tpu.memory_space<hbm>>) dst(%arg9 : memref<128x128xf32, #tpu.memory_space<vmem>>)
      "tpu.region"() ({
        %run_scoped3A = tpu.sem_alloc : memref<!tpu.dma_semaphore, #tpu.memory_space<semaphore_mem>>
        %dma_start3A_17 = arith.constant 0 : i32
        %dma_start3A_18 = arith.constant 0 : i32
        %dma_start3A_19 = tpu.memref_slice %arg10[%dma_start3A_17, %dma_start3A_18] : memref<10240x128xf32, #tpu.memory_space<vmem_shared>> -> memref<10240x128xf32, #tpu.memory_space<vmem_shared>>
        tpu.enqueue_indirect_dma source(%arg9 : memref<128x128xf32, #tpu.memory_space<vmem>>) target(%dma_start3A_19 : memref<10240x128xf32, #tpu.memory_space<vmem_shared>>) offsets(%arg8 : memref<128xi32, #tpu.memory_space<vmem>>) semaphore(%run_scoped3A : memref<!tpu.dma_semaphore, #tpu.memory_space<semaphore_mem>>) {add = true}
        %dma_wait3A_20 = arith.constant 0 : i32
        %dma_wait3A_21 = arith.constant 0 : i32
        %dma_wait3A_22 = tpu.memref_slice %arg10[%dma_wait3A_20, %dma_wait3A_21] : memref<10240x128xf32, #tpu.memory_space<vmem_shared>> -> memref<10240x128xf32, #tpu.memory_space<vmem_shared>>
        tpu.wait_indirect_dma semaphore(%run_scoped3A : memref<!tpu.dma_semaphore, #tpu.memory_space<semaphore_mem>>) src(%arg9 : memref<128x128xf32, #tpu.memory_space<vmem>>) dst(%dma_wait3A_22 : memref<10240x128xf32, #tpu.memory_space<vmem_shared>>)
        tpu.yield
      }) : () -> ()
      %scan3A_16 = arith.constant 0 : i32
      scf.yield %scan3A_16 : i32
    }
    %scan3A_8 = arith.constant 80 : i32
    %barrier3A_9 = arith.constant 0 : index
    tpu.barrier barrier_id(%barrier3A_9)
    "tpu.region"() ({
      %run_scoped3A = tpu.sem_alloc : memref<!tpu.dma_semaphore, #tpu.memory_space<semaphore_mem>>
      %dma_start3A = arith.constant 0 : i32
      %dma_start3A_10 = tpu.memref_slice %arg6[%arg0, %mul3A_2, %dma_start3A] : memref<2x10240x128xf32, #tpu.memory_space<hbm>> -> memref<1x640x128xf32, #tpu.memory_space<hbm>>
      %dma_start3A_11 = tpu.memref_squeeze %dma_start3A_10 : memref<1x640x128xf32, #tpu.memory_space<hbm>> -> memref<640x128xf32, #tpu.memory_space<hbm>>
      %dma_start3A_12 = arith.constant 0 : i32
      %dma_start3A_13 = tpu.memref_slice %arg10[%mul3A_2, %dma_start3A_12] : memref<10240x128xf32, #tpu.memory_space<vmem_shared>> -> memref<640x128xf32, #tpu.memory_space<vmem_shared>>
      tpu.enqueue_dma source(%dma_start3A_13 : memref<640x128xf32, #tpu.memory_space<vmem_shared>>) target(%dma_start3A_11 : memref<640x128xf32, #tpu.memory_space<hbm>>) target_semaphore(%run_scoped3A : memref<!tpu.dma_semaphore, #tpu.memory_space<semaphore_mem>>)
      %dma_wait3A = arith.constant 0 : i32
      %dma_wait3A_14 = tpu.memref_slice %arg6[%arg0, %mul3A_2, %dma_wait3A] : memref<2x10240x128xf32, #tpu.memory_space<hbm>> -> memref<1x640x128xf32, #tpu.memory_space<hbm>>
      %dma_wait3A_15 = tpu.memref_squeeze %dma_wait3A_14 : memref<1x640x128xf32, #tpu.memory_space<hbm>> -> memref<640x128xf32, #tpu.memory_space<hbm>>
      %dma_wait3A_16 = arith.constant 0 : i32
      %dma_wait3A_17 = tpu.memref_slice %arg10[%mul3A_2, %dma_wait3A_16] : memref<10240x128xf32, #tpu.memory_space<vmem_shared>> -> memref<640x128xf32, #tpu.memory_space<vmem_shared>>
      tpu.wait_dma2 semaphore(%run_scoped3A : memref<!tpu.dma_semaphore, #tpu.memory_space<semaphore_mem>>) src(%dma_wait3A_17 : memref<640x128xf32, #tpu.memory_space<vmem_shared>>) dst(%dma_wait3A_15 : memref<640x128xf32, #tpu.memory_space<hbm>>)
      tpu.yield
    }) : () -> ()
    return
  }
}

#map = affine_map<(d0, d1) -> (0, 0)>
#map1 = affine_map<(d0, d1) -> (0)>
module attributes {stable_mosaic.version = 14 : i64} {
  func.func @_deg_kernel(%arg0: i32, %arg1: i32, %arg2: memref<32x10240xi32, #tpu.memory_space<hbm>>, %arg3: memref<10240xf32, #tpu.memory_space<hbm>>, %arg4: memref<32x10240xf32, #tpu.memory_space<hbm>>, %arg5: memref<10240xi32, #tpu.memory_space<vmem>>, %arg6: memref<10240xf32, #tpu.memory_space<vmem>>) attributes {dimension_semantics = [#tpu.dimension_semantics<core_parallel>, #tpu.dimension_semantics<subcore_parallel>], iteration_bounds = array<i64: 2, 16>, scalar_prefetch = 0 : i64, scratch_operands = 2 : i64, tpu.core_type = #tpu.core_type<sc_vector_subcore>, window_params = [{transform_indices = #map}, {transform_indices = #map1}, {transform_indices = #map}]} {
    %mul3A = arith.constant 16 : i32
    %mul3A_0 = arith.muli %arg0, %mul3A : i32
    %add3A = arith.addi %mul3A_0, %arg1 : i32
    "tpu.region"() ({
      %run_scoped3A = tpu.sem_alloc : memref<!tpu.dma_semaphore, #tpu.memory_space<semaphore_mem>>
      tpu.enqueue_dma source(%arg3 : memref<10240xf32, #tpu.memory_space<hbm>>) target(%arg6 : memref<10240xf32, #tpu.memory_space<vmem>>) target_semaphore(%run_scoped3A : memref<!tpu.dma_semaphore, #tpu.memory_space<semaphore_mem>>)
      tpu.wait_dma2 semaphore(%run_scoped3A : memref<!tpu.dma_semaphore, #tpu.memory_space<semaphore_mem>>) src(%arg3 : memref<10240xf32, #tpu.memory_space<hbm>>) dst(%arg6 : memref<10240xf32, #tpu.memory_space<vmem>>)
      tpu.yield
    }) : () -> ()
    "tpu.region"() ({
      %run_scoped3A = tpu.sem_alloc : memref<!tpu.dma_semaphore, #tpu.memory_space<semaphore_mem>>
      %dma_start3A = arith.constant 0 : i32
      %dma_start3A_8 = tpu.memref_slice %arg2[%add3A, %dma_start3A] : memref<32x10240xi32, #tpu.memory_space<hbm>> -> memref<1x10240xi32, #tpu.memory_space<hbm>>
      %dma_start3A_9 = tpu.memref_squeeze %dma_start3A_8 : memref<1x10240xi32, #tpu.memory_space<hbm>> -> memref<10240xi32, #tpu.memory_space<hbm>>
      %dma_start3A_10 = arith.constant 0 : i32
      %dma_start3A_11 = tpu.memref_slice %arg2[%add3A, %dma_start3A_10] : memref<32x10240xi32, #tpu.memory_space<hbm>> -> memref<1x10240xi32, #tpu.memory_space<hbm>>
      %dma_start3A_12 = tpu.memref_squeeze %dma_start3A_11 : memref<1x10240xi32, #tpu.memory_space<hbm>> -> memref<10240xi32, #tpu.memory_space<hbm>>
      tpu.enqueue_dma source(%dma_start3A_12 : memref<10240xi32, #tpu.memory_space<hbm>>) target(%arg5 : memref<10240xi32, #tpu.memory_space<vmem>>) target_semaphore(%run_scoped3A : memref<!tpu.dma_semaphore, #tpu.memory_space<semaphore_mem>>)
      %dma_wait3A = arith.constant 0 : i32
      %dma_wait3A_13 = tpu.memref_slice %arg2[%add3A, %dma_wait3A] : memref<32x10240xi32, #tpu.memory_space<hbm>> -> memref<1x10240xi32, #tpu.memory_space<hbm>>
      %dma_wait3A_14 = tpu.memref_squeeze %dma_wait3A_13 : memref<1x10240xi32, #tpu.memory_space<hbm>> -> memref<10240xi32, #tpu.memory_space<hbm>>
      %dma_wait3A_15 = arith.constant 0 : i32
      %dma_wait3A_16 = tpu.memref_slice %arg2[%add3A, %dma_wait3A_15] : memref<32x10240xi32, #tpu.memory_space<hbm>> -> memref<1x10240xi32, #tpu.memory_space<hbm>>
      %dma_wait3A_17 = tpu.memref_squeeze %dma_wait3A_16 : memref<1x10240xi32, #tpu.memory_space<hbm>> -> memref<10240xi32, #tpu.memory_space<hbm>>
      tpu.wait_dma2 semaphore(%run_scoped3A : memref<!tpu.dma_semaphore, #tpu.memory_space<semaphore_mem>>) src(%dma_wait3A_17 : memref<10240xi32, #tpu.memory_space<hbm>>) dst(%arg5 : memref<10240xi32, #tpu.memory_space<vmem>>)
      tpu.yield
    }) : () -> ()
    %broadcast_in_dim3A = arith.constant 1.000000e+00 : f32
    %broadcast_in_dim3A_1 = vector.broadcast %broadcast_in_dim3A : f32 to vector<16xf32>
    %scan3A = arith.constant 0 : i32
    %scan3A_2 = arith.constant 0 : i32
    %scan3A_3 = arith.constant 640 : i32
    %scan3A_4 = arith.addi %scan3A_2, %scan3A_3 : i32
    %scan3A_5 = arith.constant 1 : i32
    %scan3A_6 = scf.for %scan3A_8 = %scan3A_2 to %scan3A_4 step %scan3A_5 iter_args(%scan3A_9 = %scan3A) -> (i32)  : i32 {
      %mul3A_10 = arith.constant 16 : i32
      %mul3A_11 = arith.muli %scan3A_8, %mul3A_10 : i32
      %get3A = arith.index_cast %mul3A_11 : i32 to index
      %get3A_12 = tpu.vector_load %arg5[%get3A] {strides = array<i32>} : memref<10240xi32, #tpu.memory_space<vmem>>, vector<16xi32>,
      tpu.vector_store_idx %arg6[%get3A_12], %broadcast_in_dim3A_1 {add = true} : memref<10240xf32, #tpu.memory_space<vmem>>[vector<16xi32>], vector<16xf32>,
      %scan3A_13 = arith.constant 0 : i32
      scf.yield %scan3A_13 : i32
    }
    %scan3A_7 = arith.constant 640 : i32
    "tpu.region"() ({
      %run_scoped3A = tpu.sem_alloc : memref<!tpu.dma_semaphore, #tpu.memory_space<semaphore_mem>>
      %dma_start3A = arith.constant 0 : i32
      %dma_start3A_8 = tpu.memref_slice %arg4[%add3A, %dma_start3A] : memref<32x10240xf32, #tpu.memory_space<hbm>> -> memref<1x10240xf32, #tpu.memory_space<hbm>>
      %dma_start3A_9 = tpu.memref_squeeze %dma_start3A_8 : memref<1x10240xf32, #tpu.memory_space<hbm>> -> memref<10240xf32, #tpu.memory_space<hbm>>
      %dma_start3A_10 = arith.constant 0 : i32
      %dma_start3A_11 = tpu.memref_slice %arg4[%add3A, %dma_start3A_10] : memref<32x10240xf32, #tpu.memory_space<hbm>> -> memref<1x10240xf32, #tpu.memory_space<hbm>>
      %dma_start3A_12 = tpu.memref_squeeze %dma_start3A_11 : memref<1x10240xf32, #tpu.memory_space<hbm>> -> memref<10240xf32, #tpu.memory_space<hbm>>
      tpu.enqueue_dma source(%arg6 : memref<10240xf32, #tpu.memory_space<vmem>>) target(%dma_start3A_12 : memref<10240xf32, #tpu.memory_space<hbm>>) target_semaphore(%run_scoped3A : memref<!tpu.dma_semaphore, #tpu.memory_space<semaphore_mem>>)
      %dma_wait3A = arith.constant 0 : i32
      %dma_wait3A_13 = tpu.memref_slice %arg4[%add3A, %dma_wait3A] : memref<32x10240xf32, #tpu.memory_space<hbm>> -> memref<1x10240xf32, #tpu.memory_space<hbm>>
      %dma_wait3A_14 = tpu.memref_squeeze %dma_wait3A_13 : memref<1x10240xf32, #tpu.memory_space<hbm>> -> memref<10240xf32, #tpu.memory_space<hbm>>
      %dma_wait3A_15 = arith.constant 0 : i32
      %dma_wait3A_16 = tpu.memref_slice %arg4[%add3A, %dma_wait3A_15] : memref<32x10240xf32, #tpu.memory_space<hbm>> -> memref<1x10240xf32, #tpu.memory_space<hbm>>
      %dma_wait3A_17 = tpu.memref_squeeze %dma_wait3A_16 : memref<1x10240xf32, #tpu.memory_space<hbm>> -> memref<10240xf32, #tpu.memory_space<hbm>>
      tpu.wait_dma2 semaphore(%run_scoped3A : memref<!tpu.dma_semaphore, #tpu.memory_space<semaphore_mem>>) src(%arg6 : memref<10240xf32, #tpu.memory_space<vmem>>) dst(%dma_wait3A_17 : memref<10240xf32, #tpu.memory_space<hbm>>)
      tpu.yield
    }) : () -> ()
    return
  }
}

module attributes {stable_mosaic.version = 14 : i64} {
  func.func @_tc1_body(%arg0: i32, %arg1: memref<2048x128xf32, #tpu.memory_space<vmem>>, %arg2: memref<32x2048xf32, #tpu.memory_space<vmem>>, %arg3: memref<128x128xf32, #tpu.memory_space<vmem>>, %arg4: memref<2048x128xf32, #tpu.memory_space<vmem>>) attributes {dimension_semantics = [#tpu.dimension_semantics<arbitrary>], iteration_bounds = array<i64: 5>, scalar_prefetch = 0 : i64, scratch_operands = 0 : i64, tpu.core_type = #tpu.core_type<tc>, window_params = [{transform_indices = @transform_0, window_bounds = array<i64: 2048, 128>}, {transform_indices = @transform_1, window_bounds = array<i64: 32, 2048>}, {pipeline_mode = #tpu.pipeline_mode<synchronous>, transform_indices = @transform_2, window_bounds = array<i64: 128, 128>}, {transform_indices = @transform_3, window_bounds = array<i64: 2048, 128>}]} {
    %get3A = arith.constant 0 : index
    %get3A_0 = arith.constant 0 : index
    %get3A_1 = vector.load %arg2[%get3A, %get3A_0] : memref<32x2048xf32, #tpu.memory_space<vmem>>, vector<32x2048xf32>
    %broadcast_in_dim3A = arith.constant 1.000000e+00 : f32
    %broadcast_in_dim3A_2 = vector.broadcast %broadcast_in_dim3A : f32 to vector<32x1xf32>
    %dot_general3A = arith.constant dense<0.000000e+00> : vector<2048x1xf32>
    %dot_general3A_3 = tpu.matmul %get3A_1, %broadcast_in_dim3A_2, %dot_general3A {dimension_numbers = #tpu.dot_dimension_numbers<[0], [0], [1], [1], [0, 1, 1, 1], [], []>, transpose_lhs_hint = false} : vector<32x2048xf32>, vector<32x1xf32>, vector<2048x1xf32> -> vector<2048x1xf32>
    %add3A = arith.constant 1.000000e+00 : f32
    %add3A_4 = vector.broadcast %add3A : f32 to vector<2048x1xf32>
    %add3A_5 = arith.addf %dot_general3A_3, %add3A_4 : vector<2048x1xf32>
    %rsqrt3A = math.rsqrt %add3A_5 : vector<2048x1xf32>
    %get3A_6 = arith.constant 0 : index
    %get3A_7 = arith.constant 0 : index
    %get3A_8 = vector.load %arg1[%get3A_6, %get3A_7] : memref<2048x128xf32, #tpu.memory_space<vmem>>, vector<2048x128xf32>
    %jit3A = arith.constant 0.000000e+00 : f32
    %ne3A = arith.cmpf one, %get3A_8, %get3A_8 : vector<2048x128xf32>
    %broadcast_in_dim3A_9 = vector.broadcast %jit3A : f32 to vector<2048x128xf32>
    %select_n3A = arith.select %ne3A, %broadcast_in_dim3A_9, %get3A_8 : vector<2048x128xi1>, vector<2048x128xf32>
    %eq3A = arith.constant 0x7F800000 : f32
    %eq3A_10 = vector.broadcast %eq3A : f32 to vector<2048x128xf32>
    %eq3A_11 = arith.cmpf oeq, %select_n3A, %eq3A_10 : vector<2048x128xf32>
    %jit3A_12 = arith.constant 3.40282347E+38 : f32
    %broadcast_in_dim3A_13 = vector.broadcast %jit3A_12 : f32 to vector<2048x128xf32>
    %select_n3A_14 = arith.select %eq3A_11, %broadcast_in_dim3A_13, %select_n3A : vector<2048x128xi1>, vector<2048x128xf32>
    %eq3A_15 = arith.constant 0xFF800000 : f32
    %eq3A_16 = vector.broadcast %eq3A_15 : f32 to vector<2048x128xf32>
    %eq3A_17 = arith.cmpf oeq, %select_n3A_14, %eq3A_16 : vector<2048x128xf32>
    %jit3A_18 = arith.constant -3.40282347E+38 : f32
    %broadcast_in_dim3A_19 = vector.broadcast %jit3A_18 : f32 to vector<2048x128xf32>
    %select_n3A_20 = arith.select %eq3A_17, %broadcast_in_dim3A_19, %select_n3A_14 : vector<2048x128xi1>, vector<2048x128xf32>
    %get3A_21 = arith.constant 0 : index
    %get3A_22 = arith.constant 0 : index
    %get3A_23 = vector.load %arg3[%get3A_21, %get3A_22] : memref<128x128xf32, #tpu.memory_space<vmem>>, vector<128x128xf32>
    %dot_general3A_24 = arith.constant dense<0.000000e+00> : vector<2048x128xf32>
    %dot_general3A_25 = tpu.matmul %select_n3A_20, %get3A_23, %dot_general3A_24 {dimension_numbers = #tpu.dot_dimension_numbers<[1], [0], [0], [1], [0, 0, 1, 1], [], []>, transpose_lhs_hint = false} : vector<2048x128xf32>, vector<128x128xf32>, vector<2048x128xf32> -> vector<2048x128xf32>
    %mul3A = vector.broadcast %rsqrt3A : vector<2048x1xf32> to vector<2048x128xf32>
    %mul3A_26 = arith.mulf %dot_general3A_25, %mul3A : vector<2048x128xf32>
    %swap3A = arith.constant 0 : index
    %swap3A_27 = arith.constant 0 : index
    %swap3A_28 = vector.load %arg4[%swap3A, %swap3A_27] : memref<2048x128xf32, #tpu.memory_space<vmem>>, vector<2048x128xf32>
    tpu.vector_store %arg4[%swap3A, %swap3A_27], %mul3A_26 {strides = array<i32>} : memref<2048x128xf32, #tpu.memory_space<vmem>>, vector<2048x128xf32>,
    return
  }
  func.func @transform_0(%arg0: i32) -> (i32, i32) {
    %c0_i32 = arith.constant 0 : i32
    %c0_i32_0 = arith.constant 0 : i32
    return %arg0, %c0_i32 : i32, i32
  }
  func.func @transform_1(%arg0: i32) -> (i32, i32) {
    %c0_i32 = arith.constant 0 : i32
    %c0_i32_0 = arith.constant 0 : i32
    return %c0_i32, %arg0 : i32, i32
  }
  func.func @transform_2(%arg0: i32) -> (i32, i32) {
    %c0_i32 = arith.constant 0 : i32
    %c0_i32_0 = arith.constant 0 : i32
    %c0_i32_1 = arith.constant 0 : i32
    return %c0_i32, %c0_i32_0 : i32, i32
  }
  func.func @transform_3(%arg0: i32) -> (i32, i32) {
    %c0_i32 = arith.constant 0 : i32
    %c0_i32_0 = arith.constant 0 : i32
    return %arg0, %c0_i32 : i32, i32
  }
}

module attributes {stable_mosaic.version = 14 : i64} {
  func.func @_tc2_body(%arg0: i32, %arg1: memref<2x2048x128xf32, #tpu.memory_space<vmem>>, %arg2: memref<2048x128xf32, #tpu.memory_space<vmem>>, %arg3: memref<32x2048xf32, #tpu.memory_space<vmem>>, %arg4: memref<128xf32, #tpu.memory_space<vmem>>, %arg5: memref<128xf32, #tpu.memory_space<vmem>>, %arg6: memref<128xf32, #tpu.memory_space<vmem>>, %arg7: memref<128x128xf32, #tpu.memory_space<vmem>>, %arg8: memref<2048x128xf32, #tpu.memory_space<vmem>>) attributes {dimension_semantics = [#tpu.dimension_semantics<arbitrary>], iteration_bounds = array<i64: 5>, scalar_prefetch = 0 : i64, scratch_operands = 0 : i64, tpu.core_type = #tpu.core_type<tc>, window_params = [{transform_indices = @transform_0, window_bounds = array<i64: 2, 2048, 128>}, {transform_indices = @transform_1, window_bounds = array<i64: 2048, 128>}, {transform_indices = @transform_2, window_bounds = array<i64: 32, 2048>}, {pipeline_mode = #tpu.pipeline_mode<synchronous>, transform_indices = @transform_3, window_bounds = array<i64: 128>}, {pipeline_mode = #tpu.pipeline_mode<synchronous>, transform_indices = @transform_4, window_bounds = array<i64: 128>}, {pipeline_mode = #tpu.pipeline_mode<synchronous>, transform_indices = @transform_5, window_bounds = array<i64: 128>}, {pipeline_mode = #tpu.pipeline_mode<synchronous>, transform_indices = @transform_6, window_bounds = array<i64: 128, 128>}, {transform_indices = @transform_7, window_bounds = array<i64: 2048, 128>}]} {
    %get3A = arith.constant 0 : index
    %get3A_0 = arith.constant 0 : index
    %get3A_1 = vector.load %arg3[%get3A, %get3A_0] : memref<32x2048xf32, #tpu.memory_space<vmem>>, vector<32x2048xf32>
    %broadcast_in_dim3A = arith.constant 1.000000e+00 : f32
    %broadcast_in_dim3A_2 = vector.broadcast %broadcast_in_dim3A : f32 to vector<32x1xf32>
    %dot_general3A = arith.constant dense<0.000000e+00> : vector<2048x1xf32>
    %dot_general3A_3 = tpu.matmul %get3A_1, %broadcast_in_dim3A_2, %dot_general3A {dimension_numbers = #tpu.dot_dimension_numbers<[0], [0], [1], [1], [0, 1, 1, 1], [], []>, transpose_lhs_hint = false} : vector<32x2048xf32>, vector<32x1xf32>, vector<2048x1xf32> -> vector<2048x1xf32>
    %add3A = arith.constant 1.000000e+00 : f32
    %add3A_4 = vector.broadcast %add3A : f32 to vector<2048x1xf32>
    %add3A_5 = arith.addf %dot_general3A_3, %add3A_4 : vector<2048x1xf32>
    %rsqrt3A = math.rsqrt %add3A_5 : vector<2048x1xf32>
    %get3A_6 = arith.constant 0 : index
    %get3A_7 = arith.constant 0 : index
    %get3A_8 = arith.constant 0 : index
    %get3A_9 = vector.load %arg1[%get3A_6, %get3A_7, %get3A_8] : memref<2x2048x128xf32, #tpu.memory_space<vmem>>, vector<1x2048x128xf32>
    %get3A_10 = vector.shape_cast %get3A_9 : vector<1x2048x128xf32> to vector<2048x128xf32>
    %get3A_11 = arith.constant 1 : index
    %get3A_12 = arith.constant 0 : index
    %get3A_13 = arith.constant 0 : index
    %get3A_14 = vector.load %arg1[%get3A_11, %get3A_12, %get3A_13] : memref<2x2048x128xf32, #tpu.memory_space<vmem>>, vector<1x2048x128xf32>
    %get3A_15 = vector.shape_cast %get3A_14 : vector<1x2048x128xf32> to vector<2048x128xf32>
    %add3A_16 = arith.addf %get3A_10, %get3A_15 : vector<2048x128xf32>
    %get3A_17 = arith.constant 0 : index
    %get3A_18 = arith.constant 0 : index
    %get3A_19 = vector.load %arg2[%get3A_17, %get3A_18] : memref<2048x128xf32, #tpu.memory_space<vmem>>, vector<2048x128xf32>
    %add3A_20 = arith.addf %add3A_16, %get3A_19 : vector<2048x128xf32>
    %mul3A = vector.broadcast %rsqrt3A : vector<2048x1xf32> to vector<2048x128xf32>
    %mul3A_21 = arith.mulf %mul3A, %add3A_20 : vector<2048x128xf32>
    %get3A_22 = arith.constant 0 : index
    %get3A_23 = vector.load %arg4[%get3A_22] : memref<128xf32, #tpu.memory_space<vmem>>, vector<128xf32>
    %broadcast_in_dim3A_24 = vector.shape_cast %get3A_23 : vector<128xf32> to vector<1x128xf32>
    %add3A_25 = vector.broadcast %broadcast_in_dim3A_24 : vector<1x128xf32> to vector<2048x128xf32>
    %add3A_26 = arith.addf %mul3A_21, %add3A_25 : vector<2048x128xf32>
    %get3A_27 = arith.constant 0 : index
    %get3A_28 = vector.load %arg5[%get3A_27] : memref<128xf32, #tpu.memory_space<vmem>>, vector<128xf32>
    %mul3A_29 = arith.constant 0.999994993 : f32
    %mul3A_30 = vector.broadcast %mul3A_29 : f32 to vector<128xf32>
    %mul3A_31 = arith.mulf %get3A_28, %mul3A_30 : vector<128xf32>
    %broadcast_in_dim3A_32 = vector.shape_cast %mul3A_31 : vector<128xf32> to vector<1x128xf32>
    %mul3A_33 = vector.broadcast %broadcast_in_dim3A_32 : vector<1x128xf32> to vector<2048x128xf32>
    %mul3A_34 = arith.mulf %add3A_26, %mul3A_33 : vector<2048x128xf32>
    %get3A_35 = arith.constant 0 : index
    %get3A_36 = vector.load %arg6[%get3A_35] : memref<128xf32, #tpu.memory_space<vmem>>, vector<128xf32>
    %broadcast_in_dim3A_37 = vector.shape_cast %get3A_36 : vector<128xf32> to vector<1x128xf32>
    %add3A_38 = vector.broadcast %broadcast_in_dim3A_37 : vector<1x128xf32> to vector<2048x128xf32>
    %add3A_39 = arith.addf %mul3A_34, %add3A_38 : vector<2048x128xf32>
    %max3A = arith.constant 0.000000e+00 : f32
    %max3A_40 = vector.broadcast %max3A : f32 to vector<2048x128xf32>
    %max3A_41 = arith.maximumf %add3A_39, %max3A_40 : vector<2048x128xf32>
    %get3A_42 = arith.constant 0 : index
    %get3A_43 = arith.constant 0 : index
    %get3A_44 = vector.load %arg7[%get3A_42, %get3A_43] : memref<128x128xf32, #tpu.memory_space<vmem>>, vector<128x128xf32>
    %dot_general3A_45 = arith.constant dense<0.000000e+00> : vector<2048x128xf32>
    %dot_general3A_46 = tpu.matmul %max3A_41, %get3A_44, %dot_general3A_45 {dimension_numbers = #tpu.dot_dimension_numbers<[1], [0], [0], [1], [0, 0, 1, 1], [], []>, transpose_lhs_hint = false} : vector<2048x128xf32>, vector<128x128xf32>, vector<2048x128xf32> -> vector<2048x128xf32>
    %mul3A_47 = vector.broadcast %rsqrt3A : vector<2048x1xf32> to vector<2048x128xf32>
    %mul3A_48 = arith.mulf %dot_general3A_46, %mul3A_47 : vector<2048x128xf32>
    %swap3A = arith.constant 0 : index
    %swap3A_49 = arith.constant 0 : index
    %swap3A_50 = vector.load %arg8[%swap3A, %swap3A_49] : memref<2048x128xf32, #tpu.memory_space<vmem>>, vector<2048x128xf32>
    tpu.vector_store %arg8[%swap3A, %swap3A_49], %mul3A_48 {strides = array<i32>} : memref<2048x128xf32, #tpu.memory_space<vmem>>, vector<2048x128xf32>,
    return
  }
  func.func @transform_0(%arg0: i32) -> (i32, i32, i32) {
    %c0_i32 = arith.constant 0 : i32
    %c0_i32_0 = arith.constant 0 : i32
    %c0_i32_1 = arith.constant 0 : i32
    return %c0_i32, %arg0, %c0_i32_0 : i32, i32, i32
  }
  func.func @transform_1(%arg0: i32) -> (i32, i32) {
    %c0_i32 = arith.constant 0 : i32
    %c0_i32_0 = arith.constant 0 : i32
    return %arg0, %c0_i32 : i32, i32
  }
  func.func @transform_2(%arg0: i32) -> (i32, i32) {
    %c0_i32 = arith.constant 0 : i32
    %c0_i32_0 = arith.constant 0 : i32
    return %c0_i32, %arg0 : i32, i32
  }
  func.func @transform_3(%arg0: i32) -> i32 {
    %c0_i32 = arith.constant 0 : i32
    %c0_i32_0 = arith.constant 0 : i32
    return %c0_i32 : i32
  }
  func.func @transform_4(%arg0: i32) -> i32 {
    %c0_i32 = arith.constant 0 : i32
    %c0_i32_0 = arith.constant 0 : i32
    return %c0_i32 : i32
  }
  func.func @transform_5(%arg0: i32) -> i32 {
    %c0_i32 = arith.constant 0 : i32
    %c0_i32_0 = arith.constant 0 : i32
    return %c0_i32 : i32
  }
  func.func @transform_6(%arg0: i32) -> (i32, i32) {
    %c0_i32 = arith.constant 0 : i32
    %c0_i32_0 = arith.constant 0 : i32
    %c0_i32_1 = arith.constant 0 : i32
    return %c0_i32, %c0_i32_0 : i32, i32
  }
  func.func @transform_7(%arg0: i32) -> (i32, i32) {
    %c0_i32 = arith.constant 0 : i32
    %c0_i32_0 = arith.constant 0 : i32
    return %arg0, %c0_i32 : i32, i32
  }
}

module attributes {stable_mosaic.version = 14 : i64} {
  func.func @_tc3_body(%arg0: i32, %arg1: memref<2x2048x128xf32, #tpu.memory_space<vmem>>, %arg2: memref<2048x128xf32, #tpu.memory_space<vmem>>, %arg3: memref<32x2048xf32, #tpu.memory_space<vmem>>, %arg4: memref<128xf32, #tpu.memory_space<vmem>>, %arg5: memref<128xf32, #tpu.memory_space<vmem>>, %arg6: memref<128xf32, #tpu.memory_space<vmem>>, %arg7: memref<128x64xf32, #tpu.memory_space<vmem>>, %arg8: memref<64xf32, #tpu.memory_space<vmem>>, %arg9: memref<64x64xf32, #tpu.memory_space<vmem>>, %arg10: memref<64xf32, #tpu.memory_space<vmem>>, %arg11: memref<1x64xf32, #tpu.memory_space<vmem>>, %arg12: memref<1x128xf32, #tpu.memory_space<vmem>>) attributes {dimension_semantics = [#tpu.dimension_semantics<arbitrary>], iteration_bounds = array<i64: 5>, scalar_prefetch = 0 : i64, scratch_operands = 1 : i64, tpu.core_type = #tpu.core_type<tc>, window_params = [{transform_indices = @transform_0, window_bounds = array<i64: 2, 2048, 128>}, {transform_indices = @transform_1, window_bounds = array<i64: 2048, 128>}, {transform_indices = @transform_2, window_bounds = array<i64: 32, 2048>}, {pipeline_mode = #tpu.pipeline_mode<synchronous>, transform_indices = @transform_3, window_bounds = array<i64: 128>}, {pipeline_mode = #tpu.pipeline_mode<synchronous>, transform_indices = @transform_4, window_bounds = array<i64: 128>}, {pipeline_mode = #tpu.pipeline_mode<synchronous>, transform_indices = @transform_5, window_bounds = array<i64: 128>}, {pipeline_mode = #tpu.pipeline_mode<synchronous>, transform_indices = @transform_6, window_bounds = array<i64: 128, 64>}, {pipeline_mode = #tpu.pipeline_mode<synchronous>, transform_indices = @transform_7, window_bounds = array<i64: 64>}, {pipeline_mode = #tpu.pipeline_mode<synchronous>, transform_indices = @transform_8, window_bounds = array<i64: 64, 64>}, {pipeline_mode = #tpu.pipeline_mode<synchronous>, transform_indices = @transform_9, window_bounds = array<i64: 64>}, {pipeline_mode = #tpu.pipeline_mode<synchronous>, transform_indices = @transform_10, window_bounds = array<i64: 1, 64>}]} {
    %get3A = arith.constant 0 : index
    %get3A_0 = arith.constant 0 : index
    %get3A_1 = vector.load %arg3[%get3A, %get3A_0] : memref<32x2048xf32, #tpu.memory_space<vmem>>, vector<32x2048xf32>
    %broadcast_in_dim3A = arith.constant 1.000000e+00 : f32
    %broadcast_in_dim3A_2 = vector.broadcast %broadcast_in_dim3A : f32 to vector<32x1xf32>
    %dot_general3A = arith.constant dense<0.000000e+00> : vector<2048x1xf32>
    %dot_general3A_3 = tpu.matmul %get3A_1, %broadcast_in_dim3A_2, %dot_general3A {dimension_numbers = #tpu.dot_dimension_numbers<[0], [0], [1], [1], [0, 1, 1, 1], [], []>, transpose_lhs_hint = false} : vector<32x2048xf32>, vector<32x1xf32>, vector<2048x1xf32> -> vector<2048x1xf32>
    %add3A = arith.constant 1.000000e+00 : f32
    %add3A_4 = vector.broadcast %add3A : f32 to vector<2048x1xf32>
    %add3A_5 = arith.addf %dot_general3A_3, %add3A_4 : vector<2048x1xf32>
    %rsqrt3A = math.rsqrt %add3A_5 : vector<2048x1xf32>
    %get3A_6 = arith.constant 0 : index
    %get3A_7 = arith.constant 0 : index
    %get3A_8 = arith.constant 0 : index
    %get3A_9 = vector.load %arg1[%get3A_6, %get3A_7, %get3A_8] : memref<2x2048x128xf32, #tpu.memory_space<vmem>>, vector<1x2048x128xf32>
    %get3A_10 = vector.shape_cast %get3A_9 : vector<1x2048x128xf32> to vector<2048x128xf32>
    %get3A_11 = arith.constant 1 : index
    %get3A_12 = arith.constant 0 : index
    %get3A_13 = arith.constant 0 : index
    %get3A_14 = vector.load %arg1[%get3A_11, %get3A_12, %get3A_13] : memref<2x2048x128xf32, #tpu.memory_space<vmem>>, vector<1x2048x128xf32>
    %get3A_15 = vector.shape_cast %get3A_14 : vector<1x2048x128xf32> to vector<2048x128xf32>
    %add3A_16 = arith.addf %get3A_10, %get3A_15 : vector<2048x128xf32>
    %get3A_17 = arith.constant 0 : index
    %get3A_18 = arith.constant 0 : index
    %get3A_19 = vector.load %arg2[%get3A_17, %get3A_18] : memref<2048x128xf32, #tpu.memory_space<vmem>>, vector<2048x128xf32>
    %add3A_20 = arith.addf %add3A_16, %get3A_19 : vector<2048x128xf32>
    %mul3A = vector.broadcast %rsqrt3A : vector<2048x1xf32> to vector<2048x128xf32>
    %mul3A_21 = arith.mulf %mul3A, %add3A_20 : vector<2048x128xf32>
    %get3A_22 = arith.constant 0 : index
    %get3A_23 = vector.load %arg4[%get3A_22] : memref<128xf32, #tpu.memory_space<vmem>>, vector<128xf32>
    %broadcast_in_dim3A_24 = vector.shape_cast %get3A_23 : vector<128xf32> to vector<1x128xf32>
    %add3A_25 = vector.broadcast %broadcast_in_dim3A_24 : vector<1x128xf32> to vector<2048x128xf32>
    %add3A_26 = arith.addf %mul3A_21, %add3A_25 : vector<2048x128xf32>
    %get3A_27 = arith.constant 0 : index
    %get3A_28 = vector.load %arg5[%get3A_27] : memref<128xf32, #tpu.memory_space<vmem>>, vector<128xf32>
    %mul3A_29 = arith.constant 0.999994993 : f32
    %mul3A_30 = vector.broadcast %mul3A_29 : f32 to vector<128xf32>
    %mul3A_31 = arith.mulf %get3A_28, %mul3A_30 : vector<128xf32>
    %broadcast_in_dim3A_32 = vector.shape_cast %mul3A_31 : vector<128xf32> to vector<1x128xf32>
    %mul3A_33 = vector.broadcast %broadcast_in_dim3A_32 : vector<1x128xf32> to vector<2048x128xf32>
    %mul3A_34 = arith.mulf %add3A_26, %mul3A_33 : vector<2048x128xf32>
    %get3A_35 = arith.constant 0 : index
    %get3A_36 = vector.load %arg6[%get3A_35] : memref<128xf32, #tpu.memory_space<vmem>>, vector<128xf32>
    %broadcast_in_dim3A_37 = vector.shape_cast %get3A_36 : vector<128xf32> to vector<1x128xf32>
    %add3A_38 = vector.broadcast %broadcast_in_dim3A_37 : vector<1x128xf32> to vector<2048x128xf32>
    %add3A_39 = arith.addf %mul3A_34, %add3A_38 : vector<2048x128xf32>
    %max3A = arith.constant 0.000000e+00 : f32
    %max3A_40 = vector.broadcast %max3A : f32 to vector<2048x128xf32>
    %max3A_41 = arith.maximumf %add3A_39, %max3A_40 : vector<2048x128xf32>
    %mul3A_42 = arith.constant 2048 : i32
    %mul3A_43 = arith.muli %arg0, %mul3A_42 : i32
    %iota3A = tpu.iota {dimensions = array<i32: 0>} : vector<2048x1xi32>
    %add3A_44 = vector.broadcast %mul3A_43 : i32 to vector<2048x1xi32>
    %add3A_45 = arith.addi %add3A_44, %iota3A : vector<2048x1xi32>
    %lt3A = arith.constant 10000 : i32
    %lt3A_46 = vector.broadcast %lt3A : i32 to vector<2048x1xi32>
    %lt3A_47 = arith.cmpi slt, %add3A_45, %lt3A_46 : vector<2048x1xi32>
    %jit3A = arith.constant 0.000000e+00 : f32
    %broadcast_in_dim3A_48 = vector.shape_cast %lt3A_47 : vector<2048x1xi1> to vector<2048x1xi1>
    %broadcast_in_dim3A_49 = vector.broadcast %broadcast_in_dim3A_48 : vector<2048x1xi1> to vector<2048x128xi1>
    %broadcast_in_dim3A_50 = vector.broadcast %jit3A : f32 to vector<2048x128xf32>
    %select_n3A = arith.select %broadcast_in_dim3A_49, %max3A_41, %broadcast_in_dim3A_50 : vector<2048x128xi1>, vector<2048x128xf32>
    %reduce_sum3A = arith.constant dense<0.000000e+00> : vector<128xf32>
    %reduce_sum3A_51 = vector.multi_reduction <add>, %select_n3A, %reduce_sum3A [0] : vector<2048x128xf32> to vector<128xf32>
    %broadcast_in_dim3A_52 = vector.shape_cast %reduce_sum3A_51 : vector<128xf32> to vector<1x128xf32>
    %eq3A = arith.constant 0 : i32
    %eq3A_53 = arith.cmpi eq, %arg0, %eq3A : i32
    %convert_element_type3A = arith.extui %eq3A_53 : i1 to i32
    %cond3A = arith.constant 0 : i32
    %cond3A_54 = arith.cmpi ne, %convert_element_type3A, %cond3A : i32
    scf.if %cond3A_54 {
      %swap3A = arith.constant 0 : index
      %swap3A_64 = arith.constant 0 : index
      %swap3A_65 = vector.load %arg12[%swap3A, %swap3A_64] : memref<1x128xf32, #tpu.memory_space<vmem>>, vector<1x128xf32>
      tpu.vector_store %arg12[%swap3A, %swap3A_64], %broadcast_in_dim3A_52 {strides = array<i32>} : memref<1x128xf32, #tpu.memory_space<vmem>>, vector<1x128xf32>,
    } else {
    }
    %gt3A = arith.constant 0 : i32
    %gt3A_55 = arith.cmpi sgt, %arg0, %gt3A : i32
    %convert_element_type3A_56 = arith.extui %gt3A_55 : i1 to i32
    %cond3A_57 = arith.constant 0 : i32
    %cond3A_58 = arith.cmpi ne, %convert_element_type3A_56, %cond3A_57 : i32
    scf.if %cond3A_58 {
      %get3A_64 = arith.constant 0 : index
      %get3A_65 = arith.constant 0 : index
      %get3A_66 = vector.load %arg12[%get3A_64, %get3A_65] : memref<1x128xf32, #tpu.memory_space<vmem>>, vector<1x128xf32>
      %add3A_67 = arith.addf %get3A_66, %broadcast_in_dim3A_52 : vector<1x128xf32>
      %swap3A = arith.constant 0 : index
      %swap3A_68 = arith.constant 0 : index
      %swap3A_69 = vector.load %arg12[%swap3A, %swap3A_68] : memref<1x128xf32, #tpu.memory_space<vmem>>, vector<1x128xf32>
      tpu.vector_store %arg12[%swap3A, %swap3A_68], %add3A_67 {strides = array<i32>} : memref<1x128xf32, #tpu.memory_space<vmem>>, vector<1x128xf32>,
    } else {
    }
    %eq3A_59 = arith.constant 4 : i32
    %eq3A_60 = arith.cmpi eq, %arg0, %eq3A_59 : i32
    %convert_element_type3A_61 = arith.extui %eq3A_60 : i1 to i32
    %cond3A_62 = arith.constant 0 : i32
    %cond3A_63 = arith.cmpi ne, %convert_element_type3A_61, %cond3A_62 : i32
    scf.if %cond3A_63 {
      %get3A_64 = arith.constant 0 : index
      %get3A_65 = arith.constant 0 : index
      %get3A_66 = vector.load %arg12[%get3A_64, %get3A_65] : memref<1x128xf32, #tpu.memory_space<vmem>>, vector<1x128xf32>
      %mul3A_67 = arith.constant 9.99999974E-5 : f32
      %mul3A_68 = vector.broadcast %mul3A_67 : f32 to vector<1x128xf32>
      %mul3A_69 = arith.mulf %get3A_66, %mul3A_68 : vector<1x128xf32>
      %get3A_70 = arith.constant 0 : index
      %get3A_71 = arith.constant 0 : index
      %get3A_72 = vector.load %arg7[%get3A_70, %get3A_71] : memref<128x64xf32, #tpu.memory_space<vmem>>, vector<128x64xf32>
      %dot_general3A_73 = arith.constant dense<0.000000e+00> : vector<1x64xf32>
      %dot_general3A_74 = tpu.matmul %mul3A_69, %get3A_72, %dot_general3A_73 {dimension_numbers = #tpu.dot_dimension_numbers<[1], [0], [0], [1], [0, 0, 1, 1], [], []>, transpose_lhs_hint = false} : vector<1x128xf32>, vector<128x64xf32>, vector<1x64xf32> -> vector<1x64xf32>
      %get3A_75 = arith.constant 0 : index
      %get3A_76 = vector.load %arg8[%get3A_75] : memref<64xf32, #tpu.memory_space<vmem>>, vector<64xf32>
      %broadcast_in_dim3A_77 = vector.shape_cast %get3A_76 : vector<64xf32> to vector<1x64xf32>
      %add3A_78 = arith.addf %dot_general3A_74, %broadcast_in_dim3A_77 : vector<1x64xf32>
      %max3A_79 = arith.constant 0.000000e+00 : f32
      %max3A_80 = vector.broadcast %max3A_79 : f32 to vector<1x64xf32>
      %max3A_81 = arith.maximumf %add3A_78, %max3A_80 : vector<1x64xf32>
      %get3A_82 = arith.constant 0 : index
      %get3A_83 = arith.constant 0 : index
      %get3A_84 = vector.load %arg9[%get3A_82, %get3A_83] : memref<64x64xf32, #tpu.memory_space<vmem>>, vector<64x64xf32>
      %dot_general3A_85 = arith.constant dense<0.000000e+00> : vector<1x64xf32>
      %dot_general3A_86 = tpu.matmul %max3A_81, %get3A_84, %dot_general3A_85 {dimension_numbers = #tpu.dot_dimension_numbers<[1], [0], [0], [1], [0, 0, 1, 1], [], []>, transpose_lhs_hint = false} : vector<1x64xf32>, vector<64x64xf32>, vector<1x64xf32> -> vector<1x64xf32>
      %get3A_87 = arith.constant 0 : index
      %get3A_88 = vector.load %arg10[%get3A_87] : memref<64xf32, #tpu.memory_space<vmem>>, vector<64xf32>
      %broadcast_in_dim3A_89 = vector.shape_cast %get3A_88 : vector<64xf32> to vector<1x64xf32>
      %add3A_90 = arith.addf %dot_general3A_86, %broadcast_in_dim3A_89 : vector<1x64xf32>
      %swap3A = arith.constant 0 : index
      %swap3A_91 = arith.constant 0 : index
      %swap3A_92 = vector.load %arg11[%swap3A, %swap3A_91] : memref<1x64xf32, #tpu.memory_space<vmem>>, vector<1x64xf32>
      tpu.vector_store %arg11[%swap3A, %swap3A_91], %add3A_90 {strides = array<i32>} : memref<1x64xf32, #tpu.memory_space<vmem>>, vector<1x64xf32>,
    } else {
    }
    return
  }
  func.func @transform_0(%arg0: i32) -> (i32, i32, i32) {
    %c0_i32 = arith.constant 0 : i32
    %c0_i32_0 = arith.constant 0 : i32
    %c0_i32_1 = arith.constant 0 : i32
    return %c0_i32, %arg0, %c0_i32_0 : i32, i32, i32
  }
  func.func @transform_1(%arg0: i32) -> (i32, i32) {
    %c0_i32 = arith.constant 0 : i32
    %c0_i32_0 = arith.constant 0 : i32
    return %arg0, %c0_i32 : i32, i32
  }
  func.func @transform_2(%arg0: i32) -> (i32, i32) {
    %c0_i32 = arith.constant 0 : i32
    %c0_i32_0 = arith.constant 0 : i32
    return %c0_i32, %arg0 : i32, i32
  }
  func.func @transform_3(%arg0: i32) -> i32 {
    %c0_i32 = arith.constant 0 : i32
    %c0_i32_0 = arith.constant 0 : i32
    return %c0_i32 : i32
  }
  func.func @transform_4(%arg0: i32) -> i32 {
    %c0_i32 = arith.constant 0 : i32
    %c0_i32_0 = arith.constant 0 : i32
    return %c0_i32 : i32
  }
  func.func @transform_5(%arg0: i32) -> i32 {
    %c0_i32 = arith.constant 0 : i32
    %c0_i32_0 = arith.constant 0 : i32
    return %c0_i32 : i32
  }
  func.func @transform_6(%arg0: i32) -> (i32, i32) {
    %c0_i32 = arith.constant 0 : i32
    %c0_i32_0 = arith.constant 0 : i32
    %c0_i32_1 = arith.constant 0 : i32
    return %c0_i32, %c0_i32_0 : i32, i32
  }
  func.func @transform_7(%arg0: i32) -> i32 {
    %c0_i32 = arith.constant 0 : i32
    %c0_i32_0 = arith.constant 0 : i32
    return %c0_i32 : i32
  }
  func.func @transform_8(%arg0: i32) -> (i32, i32) {
    %c0_i32 = arith.constant 0 : i32
    %c0_i32_0 = arith.constant 0 : i32
    %c0_i32_1 = arith.constant 0 : i32
    return %c0_i32, %c0_i32_0 : i32, i32
  }
  func.func @transform_9(%arg0: i32) -> i32 {
    %c0_i32 = arith.constant 0 : i32
    %c0_i32_0 = arith.constant 0 : i32
    return %c0_i32 : i32
  }
  func.func @transform_10(%arg0: i32) -> (i32, i32) {
    %c0_i32 = arith.constant 0 : i32
    %c0_i32_0 = arith.constant 0 : i32
    %c0_i32_1 = arith.constant 0 : i32
    return %c0_i32, %c0_i32_0 : i32, i32
  }
}

</mosaic_0001>

<sc_bundles>
// kernel: kernel.11.cloned.1.call-start
scs
__scs_entry_jumppad:
0x0: {  	(pc) =	sbr.rel $0x88, $3  }
0x1: {  	(tag) =	ssettag $0x0;
	lr =	simm.s32 $0x1  }
0x2: {  	[smem:$0x3F93] =	sst lr;
	_ =	strace $0xD0000000  }
0x3: {  	_ = 	snop  }
0x4: {  	_ = 	snop  }
0x5: {  	_ = 	snop  }
0x6: {  	_ = 	snop  }
0x7: {  	_ = 	snop  }
__scs_overlays_trampoline_lowered:
0x8: {  	[smem:$0x3FA2] =	sst s0  }
0x9: {  	[smem:$0x3FA3] =	sst s1  }
0xa: {  	[smem:$0x3FA4] =	sst s2  }
0xb: {  	[smem:$0x3FA5] =	sst s3  }
0xc: {  	[smem:$0x3FA6] =	sst s4  }
0xd: {  	[smem:$0x3FA7] =	sst s5  }
0xe: {  	[smem:$0x3FA8] =	sst s6  }
0xf: {  	[smem:$0x3FA9] =	sst s7  }
0x10: {  	[smem:$0x3FAA] =	sst s8  }
0x11: {  	[smem:$0x3FAB] =	sst s9;
	s0 =	simm.s32 @!p0 $0x0  }
0x12: {  	s1 =	sld [smem:$0x3F91];
	s0 =	simm.s32 @p0 $0x1  }
0x13: {  	[smem:$0x3FAC] =	sst s0;
	s0 =	simm.s32 @!p1 $0x0  }
0x14: {  	s2 =	sld [smem:$0x3F90];
	s0 =	simm.s32 @p1 $0x1  }
0x15: {  	[smem:$0x3FAD] =	sst s0;
	s0 =	simm.s32 @!p2 $0x0  }
0x16: {  	s3 =	sld [smem:$0x3FDB];
	s0 =	simm.s32 @p2 $0x1  }
0x17: {  	s4 =	simm.s32 $0x1BF5;
	[smem:$0x3FAF] =	sst s0  }
0x18: {  	s0 =	sld [smem:$0x3F92];
	_ =	swait.ge [sflag:s4], $0x0  }
0x19: {  	s7 =	sld [smem:$0x3F93]  }
0x1a: {  	s8 =	sadd.s32 $0xFFFFE003, lr  }
0x1b: {  	s9 =	sadd.s32 $0xFFFFFEF7, lr;
	s5 =	simm.s32 $0xFFFFFFFF;
	p2 =	slt.u32 s8, $0xFFFFF086  }
0x1c: {  	p1 =	slt.u32 s9, $0xF7A;
	s5 =	simm.s32 @!p2 $0x0  }
0x1d: {  	s5 =	simm.s32 @p1 $0x1;
	p0 =	seq.s32 s7, s2  }
0x1e: {  	s7 =	smul.u32 @!p0 $0xF7A, s2;
	p2 =	seq.s32 @!p0 s5, $0x0  }
0x1f: {  	s9 =	smul.u32 $0xF7A, s1;
	s8 =	simm.s32 @!p0 $0x1BF5;
	p2 =	por !p2, p0  }
0x20: {  	[sflag:s8] =	ssyncset.s32 @!p0 $0xFFFFF086;
	s6 =	sadd.s32 @!p0 s3, s7;
	s7 =	simm.s32 @!p0 $0x108  }
0x21: {  	s3 =	sadd.s32 s3, s9;
	s6 =	sadd.s32 @!p0 $0x88, s6;
	s7 =	simm.s32 @p2 $0x1082  }
0x22: {  	[simem:s7], [sflag:s8] =	dma.local @!p0 [hbm:s6], $0xF7A  }
0x23: {  	s9 =	sor.u32 $0xD0000000, s2;
	s6 =	simm.s32 $0x108;
	_ =	swait.ge @!p0 [sflag:s8], $0x0  }
0x24: {  	s3 =	sadd.s32 $0x88, s3;
	s6 =	simm.s32 @!p1 $0x1082;
	[sflag:s4] =	ssyncset.s32 $0xFFFFF086  }
0x25: {  	[simem:s6], [sflag:s4] =	dma.local [hbm:s3], $0xF7A  }
0x26: {  	[smem:$0x3F93] =	sst s1;
	(tag) =	ssettag s2;
	_ =	strace s9  }
0x27: {  	s1 =	sld [smem:$0x3FA3]  }
0x28: {  	s2 =	sld [smem:$0x3FA4]  }
0x29: {  	s4 =	sld [smem:$0x3FA6]  }
0x2a: {  	p0 =	seq.s32 s5, $0x0;
	s5 =	sld [smem:$0x3FA7]  }
0x2b: {  	s6 =	sld [smem:$0x3FA8]  }
0x2c: {  	s7 =	sld [smem:$0x3FA9]  }
0x2d: {  	s3 =	simm.s32 $0x108;
	s8 =	sld [smem:$0x3FAA]  }
0x2e: {  	s3 =	simm.s32 @!p0 $0x1082;
	s9 =	sld [smem:$0x3FAB]  }
0x2f: {  	lr =	sadd.s32 s0, s3;
	s0 =	sld [smem:$0x3FA2]  }
0x30: {  	s3 =	sld [smem:$0x3FA5]  }
0x31: {  	[smem:$0x3FAE] =	sst s10  }
0x32: {  	s10 =	sld [smem:$0x3FAC];
	_ =	sdelay $0x3  }
0x33: {  	p0 =	seq.s32 s10, $0x1;
	s10 =	sld [smem:$0x3FAE];
	_ =	sdelay $0x3  }
0x34: {  	[smem:$0x3FAE] =	sst s10  }
0x35: {  	s10 =	sld [smem:$0x3FAD];
	_ =	sdelay $0x3  }
0x36: {  	p1 =	seq.s32 s10, $0x1;
	s10 =	sld [smem:$0x3FAE];
	_ =	sdelay $0x3  }
0x37: {  	[smem:$0x3FAE] =	sst s10  }
0x38: {  	s10 =	sld [smem:$0x3FAF]  }
0x39: {  	_ = 	snop;
	(pc) =	sbr.ind lr, $3  }
0x3a: {  	_ = 	snop  }
0x3b: {  	_ = 	snop  }
0x3c: {  	p2 =	seq.s32 s10, $0x1;
	s10 =	sld [smem:$0x3FAE]  }
0x3d: {  	_ =	shalt  }
0x3e: {  	_ =	shalt  }
0x3f: {  	_ =	shalt  }
0x40: {  	_ =	shalt  }
0x41: {  	_ =	shalt  }
0x42: {  	_ =	shalt  }
0x43: {  	_ =	shalt  }
0x44: {  	_ =	shalt  }
0x45: {  	_ =	shalt  }
0x46: {  	_ =	shalt  }
0x47: {  	_ =	shalt  }
0x48: {  	_ =	shalt  }
0x49: {  	_ =	shalt  }
0x4a: {  	_ =	shalt  }
0x4b: {  	_ =	shalt  }
0x4c: {  	_ =	shalt  }
0x4d: {  	_ =	shalt  }
0x4e: {  	_ =	shalt  }
0x4f: {  	_ =	shalt  }
0x50: {  	_ =	shalt  }
0x51: {  	_ =	shalt  }
0x52: {  	_ =	shalt  }
0x53: {  	_ =	shalt  }
0x54: {  	_ =	shalt  }
0x55: {  	_ =	shalt  }
0x56: {  	_ =	shalt  }
0x57: {  	_ =	shalt  }
0x58: {  	_ =	shalt  }
0x59: {  	_ =	shalt  }
0x5a: {  	_ =	shalt  }
0x5b: {  	_ =	shalt  }
0x5c: {  	_ =	shalt  }
0x5d: {  	_ =	shalt  }
0x5e: {  	_ =	shalt  }
0x5f: {  	_ =	shalt  }
0x60: {  	_ =	shalt  }
0x61: {  	_ =	shalt  }
0x62: {  	_ =	shalt  }
0x63: {  	_ =	shalt  }
0x64: {  	_ =	shalt  }
0x65: {  	_ =	shalt  }
0x66: {  	_ =	shalt  }
0x67: {  	_ =	shalt  }
0x68: {  	_ =	shalt  }
0x69: {  	_ =	shalt  }
0x6a: {  	_ =	shalt  }
0x6b: {  	_ =	shalt  }
0x6c: {  	_ =	shalt  }
0x6d: {  	_ =	shalt  }
0x6e: {  	_ =	shalt  }
0x6f: {  	_ =	shalt  }
0x70: {  	_ =	shalt  }
0x71: {  	_ =	shalt  }
0x72: {  	_ =	shalt  }
0x73: {  	_ =	shalt  }
0x74: {  	_ =	shalt  }
0x75: {  	_ =	shalt  }
0x76: {  	_ =	shalt  }
0x77: {  	_ =	shalt  }
0x78: {  	_ =	shalt  }
0x79: {  	_ =	shalt  }
0x7a: {  	_ =	shalt  }
0x7b: {  	_ =	shalt  }
0x7c: {  	_ =	shalt  }
0x7d: {  	_ =	shalt  }
0x7e: {  	_ =	shalt  }
0x7f: {  	_ =	shalt  }
0x80: {  	_ =	shalt  }
0x81: {  	_ =	shalt  }
0x82: {  	_ =	shalt  }
0x83: {  	_ =	shalt  }
0x84: {  	_ =	shalt  }
0x85: {  	_ =	shalt  }
0x86: {  	_ =	shalt  }
0x87: {  	_ =	shalt  }
.Lfunc_end0:
.L_simem_size_0:
called_computation.1_lowered:
.L_overlay_start_0:
0x88: {  	s2 =	sld [smem:$0x3FD9]  }
0x89: {  	s3 =	sld [smem:$0x3FFE];
	_ =	sdelay $0x1  }
0x8a: {  	s1 =	srdreg.scid  }
0x8b: {  	s0 =	sand.u32 $0x1, s1  }
0x8c: {  	s16 =	sshll.u32 s0, $0xA;
	s2 =	sadd.s32 s3, s2  }
0x8d: {  	s2 =	sadd.s32 s2, s16  }
0x8e: {  	[smem:$0x3FBA] =	sst s2  }
0x8f: {  	_ = 	snop  }
0x90: {  	(tm) =	ssettm $0x1  }
0x91: {  	s17 =	sld [smem:$0x3FFB];
	_ =	sdelay $0x3  }
0x92: {  	_ =	strace s17  }
0x93: {  	s2 =	sld [smem:$0x3FFC];
	_ =	sdelay $0x3  }
0x94: {  	_ =	strace s2  }
0x95: {  	s2 =	sld [smem:$0x3FFD];
	_ =	sdelay $0x3  }
0x96: {  	_ =	strace s2  }
0x97: {  	_ =	strace $0x8FFFFFFF  }
0x98: {  	s18 =	sld [smem:$0x3FDB];
	_ =	sdelay $0x1  }
0x99: {  	s19 =	simm.s32 $_scs_section_size  }
0x9a: {  	s4 =	simm.s32 $_size__tile_overlayer_lowered;
	s5 =	simm.s32 $_tile_overlayer_lowered  }
0x9b: {  	s22 =	simm.s32 $0x1BFF;
	s21 =	sshll.u32 s5, $0x1;
	s2 =	sadd.s32 s19, s18  }
0x9c: {  	s6 =	simm.s32 $0x0;
	s20 =	sshll.u32 s4, $0x1;
	s4 =	sadd.s32 s21, s2  }
0x9d: {  	[timem:s6], [sflag:s22] =	dma.local [hbm:s4], s20  }
0x9e: {  	_ =	swait.ge [sflag:s22], s20  }
0x9f: {  	s3 =	ssub.s32 $0x0, s20;
	[sflag:s22] =	ssyncset.done $0x0  }
0xa0: {  	[sflag:s22] =	ssyncadd.s32 s3;
	_ =	sdelay $0x1  }
0xa1: {  	s23 =	simm.s32 $0x1B8B  }
0xa2: {  	_ =	swait.ge [sflag:s23], $0x1  }
0xa3: {  	[sflag:s23] =	ssyncset.done $0x0  }
0xa4: {  	s25 =	simm.s32 $0x1B8E;
	s24 =	sld [smem:$0x3FFE];
	[sflag:s23] =	ssyncadd.s32 $0xFFFFFFFF  }
0xa5: {  	s26 =	simm.s32 $execute0_lowered;
	[smem:$0x3FD2] =	sst s25  }
0xa6: {  	s4 =	sshll.u32 s26, $0x1;
	_ =	strace $0x80000049;
	[dreg:$0x1] =	wrdreg $0xFFFFFFFF  }
0xa7: {  	s28 =	simm.s32 $_size_execute0_lowered;
	s2 =	sadd.s32 s2, s4;
	[dreg:$0x0] =	wrdreg $0x0  }
0xa8: {  	s4 =	sshll.u32 s28, $0x1;
	[dreg:$0x2] =	wrdreg s2  }
0xa9: {  	[dreg:$0x3] =	wrdreg s4  }
0xaa: {  	[dreg:$0x4] =	wrdreg $0xC0  }
0xab: {  	_ =	task [dreg:s6], $0x5FFFF  }
0xac: {  	[dreg:$0x1] =	wrdreg $0xFFFFFFFF  }
0xad: {  	[dreg:$0x0] =	wrdreg $0x60  }
0xae: {  	[dreg:$0x2] =	wrdreg s24  }
0xaf: {  	[dreg:$0x3] =	wrdreg $0x41000  }
0xb0: {  	[dreg:$0x4] =	wrdreg $0x9  }
0xb1: {  	_ =	task.clear_ibuf [dreg:s6], $0x5FFFF;
	_ =	strace $0x90000049  }
0xb2: {  	s29 =	simm.s32 $0x9;
	_ =	strace $0x8000004B  }
0xb3: {  	_ =	swait.ge [sflag:s29], $0x1  }
0xb4: {  	[sflag:s29] =	ssyncadd.s32 $0xFFFFFFFF  }
0xb5: {  	_ =	strace $0x9000004B  }
0xb6: {  	_ =	sfence  }
0xb7: {  	s30 =	sld [smem:$0x0];
	_ =	sdelay $0x2  }
0xb8: {  	s31 =	sshll.u32 s1, $0xD;
	s1 =	sshrl.u32 s1, $0x2  }
0xb9: {  	s3 =	sand.u32 $0x4000, s31;
	s1 =	sadd.s32 s1, s30  }
0xba: {  	s0 =	sor.u32 s3, s0;
	s1 =	sshll.u32 s1, $0x11  }
0xbb: {  	s0 =	sor.u32 s1, s0  }
0xbc: {  	s0 =	sadd.s32 $0x8F2B, s0  }
0xbd: {  	[sflag:s0] =	ssyncadd.remote.s32 $0x1  }
0xbe: {  	_ =	sfence.sel $0xFFFF  }
0xbf: {  	[dreg:$0x0] =	wrdreg $0xFFFFFFFF;
	(pc) =	sbr.abs _section_cstart, $3  }
0xc0: {  	[dreg:$0x1] =	wrdreg $0xFFFFFFFF  }
0xc1: {  	_ =	task.clear_ibuf [dreg:s6], $0x2FFFF;
	_ =	strace $0x9FFFFFFF  }
0xc2: {  	(tm) =	ssettm $0x7FFFFFFF  }
0xc3: {  	_ =	shalt  }
tec
execute0_lowered:
.L_overlay_start_1:
0x0: {  	(tag) =	ssettag $0x1  }
0x1: {  	s7 =	rddreg [dreg:$0x0]  }
0x2: {  	s2 =	rddreg [dreg:$0x1]  }
0x3: {  	s0 =	rddreg [dreg:$0x2]  }
0x4: {  	s3 =	simm.s32 $0x0;
	s1 =	stileid.u32;
	s4 =	srdreg.scid  }
0x5: {  	s15 =	simm.s32 $0x100;
	s16 =	simm.s32 $0x1;
	s17 =	simm.s32 $0x0  }
0x6: {  	[smem:$0x7FF] =	sst s3;
	s8 =	smul.u32 $0x14000, s1;
	s9 =	sand.u32 $0x1, s4  }
0x7: {  	s4 =	sadd.s32 $0x2BA00, s7;
	s5 =	sadd.s32 $0x21A00, s7;
	s6 =	sadd.s32 $0x3400, s7  }
0x8: {  	s13 =	smul.u32 $0x50000, s1;
	s31 =	sshll.u32 s1, $0x6;
	_ =	strace $0x8000004A  }
0x9: {  	s10 =	smul.u32 $0x140000, s9;
	s28 =	ssub.s32 $0x2, s9;
	s29 =	sshll.u32 s9, $0x4  }
0xa: {  	s11 =	sshrl.u32 s8, $0x3;
	s12 =	sshrl.u32 s28, $0x1;
	s9 =	sor.u32 s1, s29  }
0xb: {  	s30 =	sshrl.u32 s13, $0x2;
	s11 =	sadd.s32 s11, s7;
	s8 =	sadd.s32 s8, s10  }
0xc: {  	s12 =	ssub.s32 s28, s12;
	s13 =	sadd.s32 s30, s2;
	s8 =	sshrl.u32 s8, $0x3  }
0xd: {  	s9 =	smul.u32 $0x2800, s9;
	s14 =	sadd.s32 s8, s7;
	s7 =	sadd.s32 $0x53A00, s11  }
0xe: {  	s8 =	sor.u32 $0x1C02, s31;
	s11 =	smax.u32 s12, $0x1;
	s12 =	sshrl.u32 s13, $0x3  }
0xf: {  	s13 =	simm.s32 $0x2;
	s10 =	sadd.s32 $0x7BA00, s14;
	s14 =	simm.s32 $0x80  }
.LBB2_1:
0x10: {  	[spmem:s12], [sflag:s8] =	dma.local [hbm:s7], $0x2800  }
0x11: {  	s18 =	sand.u32 $0x3C00, s3  }
0x12: {  	s19 =	sand.u32 $0x380, s3;
	_ =	swait.ge [sflag:s13], $0x2800;
	s18 =	sadd.s32 s9, s18  }
0x13: {  	[sflag:s13] =	ssyncset.done $0x0;
	s18 =	sor.u32 s19, s18  }
0x14: {  	[sflag:s13] =	ssyncadd.s32 $0xFFFFD800;
	s18 =	sshrl.u32 s18, $0x3  }
0x15: {  	[bflag:$0x0] =	sbarrier.arrive $0xFFFF;
	s29 =	sadd.s32 s5, s18  }
0x16: {  	[tilespmem:s3], [sflag:$0x2] =	stream.linear.gather [hbm4b:s29+s3], $0x80, $0x38;
	[tilespmem:$0x18100] =	vst v63  }
0x17: {  	_ =	swait.ge [sflag:s13], $0x80  }
0x18: {  	[sflag:s13] =	ssyncset.done $0x0  }
0x19: {  	s18 =	sadd.s32 s6, s18;
	[sflag:s13] =	ssyncadd.s32 $0xFFFFFF80  }
0x1a: {  	[tilespmem:s14], [sflag:$0x2] =	stream.linear.gather [hbm4b:s18+s3], $0x80, $0x38;
	[tilespmem:$0x18100] =	vst v63  }
0x1b: {  	_ =	swait.ge [sflag:s13], $0x80  }
0x1c: {  	[sflag:s13] =	ssyncset.done $0x0  }
0x1d: {  	[sflag:s13] =	ssyncadd.s32 $0xFFFFFF80  }
0x1e: {  	[tilespmem:s15], [sflag:$0x1] =	stream.indirect.gather [hbm4b:s4+s14], $0x80, s3, s14, $0xb8;
	[tilespmem:$0x18100] =	vst v63  }
0x1f: {  	_ =	swait.ge [sflag:s16], $0x4000  }
0x20: {  	s30 =	simm.s32 $0x80;
	[sflag:s16] =	ssyncset.done $0x0  }
0x21: {  	s31 =	sand.u32 $0x3C00, s30;
	[sflag:s16] =	ssyncadd.s32 $0xFFFFC000  }
0x22: {  	[spmem:s2] =	stream.indirect.scatter.add.f32 [tilespmem:s15], [sflag:$0x2], $0x80, s14, s14, $0xb8;
	[tilespmem:$0x18100] =	vst v63  }
0x23: {  	s20 =	sand.u32 $0x380, s30;
	s19 =	sadd.s32 s9, s31;
	_ =	swait.ge [sflag:s13], $0x4000  }
0x24: {  	s19 =	sor.u32 s20, s19;
	s18 =	simm.s32 $0x100;
	[sflag:s13] =	ssyncset.done $0x0  }
.LBB2_2:
0x25: {  	s19 =	sshrl.u32 s19, $0x3  }
0x26: {  	[sflag:s13] =	ssyncadd.s32 $0xFFFFC000;
	s20 =	smov.u32 s18;
	s21 =	sadd.s32 $0x80, s18  }
0x27: {  	p0 =	sne.s32 s18, $0x2780;
	s18 =	sadd.s32 s5, s19  }
0x28: {  	[tilespmem:s3], [sflag:$0x2] =	stream.linear.gather [hbm4b:s18+s3], $0x80, $0x38;
	[tilespmem:$0x18100] =	vst v63  }
0x29: {  	_ =	swait.ge [sflag:s13], $0x80  }
0x2a: {  	[sflag:s13] =	ssyncset.done $0x0  }
0x2b: {  	s18 =	sadd.s32 s6, s19;
	[sflag:s13] =	ssyncadd.s32 $0xFFFFFF80  }
0x2c: {  	[tilespmem:s14], [sflag:$0x2] =	stream.linear.gather [hbm4b:s18+s3], $0x80, $0x38;
	[tilespmem:$0x18100] =	vst v63  }
0x2d: {  	_ =	swait.ge [sflag:s13], $0x80  }
0x2e: {  	[sflag:s13] =	ssyncset.done $0x0  }
0x2f: {  	[sflag:s13] =	ssyncadd.s32 $0xFFFFFF80  }
0x30: {  	[tilespmem:s15], [sflag:$0x1] =	stream.indirect.gather [hbm4b:s4+s14], $0x80, s3, s14, $0xb8;
	[tilespmem:$0x18100] =	vst v63  }
0x31: {  	_ =	swait.ge [sflag:s16], $0x4000  }
.Ltmp0:
0x32: {  	[sflag:s16] =	ssyncset.done $0x0;
	(pc) =	sbr.rel @p0 .LBB2_2-.Ltmp0, $4  }
0x33: {  	s18 =	sand.u32 $0x3C00, s20;
	[sflag:s16] =	ssyncadd.s32 $0xFFFFC000  }
0x34: {  	[spmem:s2] =	stream.indirect.scatter.add.f32 [tilespmem:s15], [sflag:$0x2], $0x80, s14, s14, $0xb8;
	[tilespmem:$0x18100] =	vst v63  }
0x35: {  	s19 =	sand.u32 $0x380, s20;
	s18 =	sadd.s32 s9, s18;
	_ =	swait.ge [sflag:s13], $0x4000  }
0x36: {  	s19 =	sor.u32 s19, s18;
	s18 =	smov.u32 s21;
	[sflag:s13] =	ssyncset.done $0x0  }
0x37: {  	s18 =	sshrl.u32 s19, $0x3  }
0x38: {  	[sflag:s13] =	ssyncadd.s32 $0xFFFFC000;
	s19 =	sadd.s32 s5, s18  }
0x39: {  	[tilespmem:s3], [sflag:$0x2] =	stream.linear.gather [hbm4b:s19+s3], $0x80, $0x38;
	[tilespmem:$0x18100] =	vst v63  }
0x3a: {  	_ =	swait.ge [sflag:s13], $0x80  }
0x3b: {  	[sflag:s13] =	ssyncset.done $0x0  }
0x3c: {  	s18 =	sadd.s32 s6, s18;
	[sflag:s13] =	ssyncadd.s32 $0xFFFFFF80  }
0x3d: {  	[tilespmem:s14], [sflag:$0x2] =	stream.linear.gather [hbm4b:s18+s3], $0x80, $0x38;
	[tilespmem:$0x18100] =	vst v63  }
0x3e: {  	_ =	swait.ge [sflag:s13], $0x80  }
0x3f: {  	[sflag:s13] =	ssyncset.done $0x0  }
0x40: {  	[sflag:s13] =	ssyncadd.s32 $0xFFFFFF80  }
0x41: {  	[tilespmem:s15], [sflag:$0x1] =	stream.indirect.gather [hbm4b:s4+s14], $0x80, s3, s14, $0xb8;
	[tilespmem:$0x18100] =	vst v63  }
0x42: {  	_ =	swait.ge [sflag:s16], $0x4000  }
0x43: {  	[sflag:s16] =	ssyncset.done $0x0  }
0x44: {  	[sflag:s16] =	ssyncadd.s32 $0xFFFFC000  }
0x45: {  	[spmem:s2] =	stream.indirect.scatter.add.f32 [tilespmem:s15], [sflag:$0x2], $0x80, s14, s14, $0xb8;
	[tilespmem:$0x18100] =	vst v63  }
0x46: {  	_ =	swait.ge [sflag:s13], $0x4000  }
0x47: {  	s17 =	sadd.s32 $0x1, s17;
	[sflag:s13] =	ssyncset.done $0x0  }
0x48: {  	p0 =	sne.s32 s17, s11;
	[sflag:s13] =	ssyncadd.s32 $0xFFFFC000  }
.Ltmp1:
0x49: {  	[bflag:$0x0] =	sbarrier.arrive $0xFFFF;
	(pc) =	sbr.rel @p0 .LBB2_1-.Ltmp1, $4  }
0x4a: {  	[hbm:s10], [sflag:s8] =	dma.local [spmem:s12], $0x2800  }
0x4b: {  	_ =	swait.ge [sflag:s13], $0x2800  }
0x4c: {  	[sflag:s13] =	ssyncset.done $0x0  }
0x4d: {  	[sflag:s13] =	ssyncadd.s32 $0xFFFFD800  }
0x4e: {  	_ =	sfence.sel $0x180000  }
0x4f: {  	[bflag:$0x0] =	sbarrier.arrive $0xFFFF  }
0x50: {  	p0 =	sne.s32 s1, $0x0;
	_ =	strace $0x9000004A  }
0x51: {  	s0 =	sadd.s32 @!p0 $0x100000, s0;
	[bflag:$0x2] =	sbarrier.arrive $0xFFFF  }
0x52: {  	[sflag:s0] =	ssyncadd.tile.s32 @!p0 $0x1;
	_ =	shalt  }
.Lfunc_end2:
_tile_overlayer_lowered:
.L_overlay_start_2:
0x53: {  	(tag) =	ssettag $0x2  }
0x54: {  	s0 =	rddreg [dreg:$0x0];
	s2 =	stileid.u32  }
0x55: {  	s1 =	rddreg [dreg:$0x1];
	p0 =	sne.s32 s2, $0x0  }
0x56: {  	s3 =	rddreg [dreg:$0x2];
	[bflag:$0x3] =	sbarrier.arrive $0xFFFF;
	s2 =	simm.s32 @!p0 $0x1C02  }
0x57: {  	[timem:s3], [sflag:s2] =	dma.local @!p0 [hbm:s0], s1  }
0x58: {  	s0 =	simm.s32 @!p0 $0x2  }
0x59: {  	_ =	swait.ge @!p0 [sflag:s0], s1  }
0x5a: {  	s1 =	ssub.s32 @!p0 $0x0, s1;
	[sflag:s0] =	ssyncset.done @!p0 $0x0  }
0x5b: {  	[sflag:s0] =	ssyncadd.s32 @!p0 s1  }
0x5c: {  	[bflag:$0x3] =	sbarrier.arrive $0xFFFF  }
0x5d: {  	_ =	shalt  }

// kernel: kernel.14.cloned.1.call-start
scs
__scs_entry_jumppad:
0x0: {  	(pc) =	sbr.rel $0x88, $3  }
0x1: {  	(tag) =	ssettag $0x0;
	lr =	simm.s32 $0x1  }
0x2: {  	[smem:$0x3F93] =	sst lr;
	_ =	strace $0xD0000000  }
0x3: {  	_ = 	snop  }
0x4: {  	_ = 	snop  }
0x5: {  	_ = 	snop  }
0x6: {  	_ = 	snop  }
0x7: {  	_ = 	snop  }
__scs_overlays_trampoline_lowered:
0x8: {  	[smem:$0x3FA2] =	sst s0  }
0x9: {  	[smem:$0x3FA3] =	sst s1  }
0xa: {  	[smem:$0x3FA4] =	sst s2  }
0xb: {  	[smem:$0x3FA5] =	sst s3  }
0xc: {  	[smem:$0x3FA6] =	sst s4  }
0xd: {  	[smem:$0x3FA7] =	sst s5  }
0xe: {  	[smem:$0x3FA8] =	sst s6  }
0xf: {  	[smem:$0x3FA9] =	sst s7  }
0x10: {  	[smem:$0x3FAA] =	sst s8  }
0x11: {  	[smem:$0x3FAB] =	sst s9;
	s0 =	simm.s32 @!p0 $0x0  }
0x12: {  	s1 =	sld [smem:$0x3F91];
	s0 =	simm.s32 @p0 $0x1  }
0x13: {  	[smem:$0x3FAC] =	sst s0;
	s0 =	simm.s32 @!p1 $0x0  }
0x14: {  	s2 =	sld [smem:$0x3F90];
	s0 =	simm.s32 @p1 $0x1  }
0x15: {  	[smem:$0x3FAD] =	sst s0;
	s0 =	simm.s32 @!p2 $0x0  }
0x16: {  	s3 =	sld [smem:$0x3FDB];
	s0 =	simm.s32 @p2 $0x1  }
0x17: {  	s4 =	simm.s32 $0x1BF5;
	[smem:$0x3FAF] =	sst s0  }
0x18: {  	s0 =	sld [smem:$0x3F92];
	_ =	swait.ge [sflag:s4], $0x0  }
0x19: {  	s7 =	sld [smem:$0x3F93]  }
0x1a: {  	s8 =	sadd.s32 $0xFFFFE003, lr  }
0x1b: {  	s9 =	sadd.s32 $0xFFFFFEF7, lr;
	s5 =	simm.s32 $0xFFFFFFFF;
	p2 =	slt.u32 s8, $0xFFFFF086  }
0x1c: {  	p1 =	slt.u32 s9, $0xF7A;
	s5 =	simm.s32 @!p2 $0x0  }
0x1d: {  	s5 =	simm.s32 @p1 $0x1;
	p0 =	seq.s32 s7, s2  }
0x1e: {  	s7 =	smul.u32 @!p0 $0xF7A, s2;
	p2 =	seq.s32 @!p0 s5, $0x0  }
0x1f: {  	s9 =	smul.u32 $0xF7A, s1;
	s8 =	simm.s32 @!p0 $0x1BF5;
	p2 =	por !p2, p0  }
0x20: {  	[sflag:s8] =	ssyncset.s32 @!p0 $0xFFFFF086;
	s6 =	sadd.s32 @!p0 s3, s7;
	s7 =	simm.s32 @!p0 $0x108  }
0x21: {  	s3 =	sadd.s32 s3, s9;
	s6 =	sadd.s32 @!p0 $0x88, s6;
	s7 =	simm.s32 @p2 $0x1082  }
0x22: {  	[simem:s7], [sflag:s8] =	dma.local @!p0 [hbm:s6], $0xF7A  }
0x23: {  	s9 =	sor.u32 $0xD0000000, s2;
	s6 =	simm.s32 $0x108;
	_ =	swait.ge @!p0 [sflag:s8], $0x0  }
0x24: {  	s3 =	sadd.s32 $0x88, s3;
	s6 =	simm.s32 @!p1 $0x1082;
	[sflag:s4] =	ssyncset.s32 $0xFFFFF086  }
0x25: {  	[simem:s6], [sflag:s4] =	dma.local [hbm:s3], $0xF7A  }
0x26: {  	[smem:$0x3F93] =	sst s1;
	(tag) =	ssettag s2;
	_ =	strace s9  }
0x27: {  	s1 =	sld [smem:$0x3FA3]  }
0x28: {  	s2 =	sld [smem:$0x3FA4]  }
0x29: {  	s4 =	sld [smem:$0x3FA6]  }
0x2a: {  	p0 =	seq.s32 s5, $0x0;
	s5 =	sld [smem:$0x3FA7]  }
0x2b: {  	s6 =	sld [smem:$0x3FA8]  }
0x2c: {  	s7 =	sld [smem:$0x3FA9]  }
0x2d: {  	s3 =	simm.s32 $0x108;
	s8 =	sld [smem:$0x3FAA]  }
0x2e: {  	s3 =	simm.s32 @!p0 $0x1082;
	s9 =	sld [smem:$0x3FAB]  }
0x2f: {  	lr =	sadd.s32 s0, s3;
	s0 =	sld [smem:$0x3FA2]  }
0x30: {  	s3 =	sld [smem:$0x3FA5]  }
0x31: {  	[smem:$0x3FAE] =	sst s10  }
0x32: {  	s10 =	sld [smem:$0x3FAC];
	_ =	sdelay $0x3  }
0x33: {  	p0 =	seq.s32 s10, $0x1;
	s10 =	sld [smem:$0x3FAE];
	_ =	sdelay $0x3  }
0x34: {  	[smem:$0x3FAE] =	sst s10  }
0x35: {  	s10 =	sld [smem:$0x3FAD];
	_ =	sdelay $0x3  }
0x36: {  	p1 =	seq.s32 s10, $0x1;
	s10 =	sld [smem:$0x3FAE];
	_ =	sdelay $0x3  }
0x37: {  	[smem:$0x3FAE] =	sst s10  }
0x38: {  	s10 =	sld [smem:$0x3FAF]  }
0x39: {  	_ = 	snop;
	(pc) =	sbr.ind lr, $3  }
0x3a: {  	_ = 	snop  }
0x3b: {  	_ = 	snop  }
0x3c: {  	p2 =	seq.s32 s10, $0x1;
	s10 =	sld [smem:$0x3FAE]  }
0x3d: {  	_ =	shalt  }
0x3e: {  	_ =	shalt  }
0x3f: {  	_ =	shalt  }
0x40: {  	_ =	shalt  }
0x41: {  	_ =	shalt  }
0x42: {  	_ =	shalt  }
0x43: {  	_ =	shalt  }
0x44: {  	_ =	shalt  }
0x45: {  	_ =	shalt  }
0x46: {  	_ =	shalt  }
0x47: {  	_ =	shalt  }
0x48: {  	_ =	shalt  }
0x49: {  	_ =	shalt  }
0x4a: {  	_ =	shalt  }
0x4b: {  	_ =	shalt  }
0x4c: {  	_ =	shalt  }
0x4d: {  	_ =	shalt  }
0x4e: {  	_ =	shalt  }
0x4f: {  	_ =	shalt  }
0x50: {  	_ =	shalt  }
0x51: {  	_ =	shalt  }
0x52: {  	_ =	shalt  }
0x53: {  	_ =	shalt  }
0x54: {  	_ =	shalt  }
0x55: {  	_ =	shalt  }
0x56: {  	_ =	shalt  }
0x57: {  	_ =	shalt  }
0x58: {  	_ =	shalt  }
0x59: {  	_ =	shalt  }
0x5a: {  	_ =	shalt  }
0x5b: {  	_ =	shalt  }
0x5c: {  	_ =	shalt  }
0x5d: {  	_ =	shalt  }
0x5e: {  	_ =	shalt  }
0x5f: {  	_ =	shalt  }
0x60: {  	_ =	shalt  }
0x61: {  	_ =	shalt  }
0x62: {  	_ =	shalt  }
0x63: {  	_ =	shalt  }
0x64: {  	_ =	shalt  }
0x65: {  	_ =	shalt  }
0x66: {  	_ =	shalt  }
0x67: {  	_ =	shalt  }
0x68: {  	_ =	shalt  }
0x69: {  	_ =	shalt  }
0x6a: {  	_ =	shalt  }
0x6b: {  	_ =	shalt  }
0x6c: {  	_ =	shalt  }
0x6d: {  	_ =	shalt  }
0x6e: {  	_ =	shalt  }
0x6f: {  	_ =	shalt  }
0x70: {  	_ =	shalt  }
0x71: {  	_ =	shalt  }
0x72: {  	_ =	shalt  }
0x73: {  	_ =	shalt  }
0x74: {  	_ =	shalt  }
0x75: {  	_ =	shalt  }
0x76: {  	_ =	shalt  }
0x77: {  	_ =	shalt  }
0x78: {  	_ =	shalt  }
0x79: {  	_ =	shalt  }
0x7a: {  	_ =	shalt  }
0x7b: {  	_ =	shalt  }
0x7c: {  	_ =	shalt  }
0x7d: {  	_ =	shalt  }
0x7e: {  	_ =	shalt  }
0x7f: {  	_ =	shalt  }
0x80: {  	_ =	shalt  }
0x81: {  	_ =	shalt  }
0x82: {  	_ =	shalt  }
0x83: {  	_ =	shalt  }
0x84: {  	_ =	shalt  }
0x85: {  	_ =	shalt  }
0x86: {  	_ =	shalt  }
0x87: {  	_ =	shalt  }
.Lfunc_end0:
.L_simem_size_0:
called_computation.2_lowered:
.L_overlay_start_0:
0x88: {  	s2 =	sld [smem:$0x3FD9]  }
0x89: {  	s3 =	sld [smem:$0x3FFE];
	_ =	sdelay $0x1  }
0x8a: {  	s1 =	srdreg.scid  }
0x8b: {  	s0 =	sand.u32 $0x1, s1  }
0x8c: {  	s16 =	sshll.u32 s0, $0xA;
	s2 =	sadd.s32 s3, s2  }
0x8d: {  	s2 =	sadd.s32 s2, s16  }
0x8e: {  	[smem:$0x3FBA] =	sst s2  }
0x8f: {  	_ = 	snop  }
0x90: {  	(tm) =	ssettm $0x1  }
0x91: {  	s17 =	sld [smem:$0x3FFB];
	_ =	sdelay $0x3  }
0x92: {  	_ =	strace s17  }
0x93: {  	s2 =	sld [smem:$0x3FFC];
	_ =	sdelay $0x3  }
0x94: {  	_ =	strace s2  }
0x95: {  	s2 =	sld [smem:$0x3FFD];
	_ =	sdelay $0x3  }
0x96: {  	_ =	strace s2  }
0x97: {  	_ =	strace $0x8FFFFFFF  }
0x98: {  	s18 =	sld [smem:$0x3FDB];
	_ =	sdelay $0x1  }
0x99: {  	s19 =	simm.s32 $_scs_section_size  }
0x9a: {  	s4 =	simm.s32 $_size__tile_overlayer_lowered;
	s5 =	simm.s32 $_tile_overlayer_lowered  }
0x9b: {  	s22 =	simm.s32 $0x1BFF;
	s21 =	sshll.u32 s5, $0x1;
	s2 =	sadd.s32 s19, s18  }
0x9c: {  	s6 =	simm.s32 $0x0;
	s20 =	sshll.u32 s4, $0x1;
	s4 =	sadd.s32 s21, s2  }
0x9d: {  	[timem:s6], [sflag:s22] =	dma.local [hbm:s4], s20  }
0x9e: {  	_ =	swait.ge [sflag:s22], s20  }
0x9f: {  	s3 =	ssub.s32 $0x0, s20;
	[sflag:s22] =	ssyncset.done $0x0  }
0xa0: {  	[sflag:s22] =	ssyncadd.s32 s3;
	_ =	sdelay $0x1  }
0xa1: {  	s23 =	simm.s32 $0x1B8B  }
0xa2: {  	_ =	swait.ge [sflag:s23], $0x1  }
0xa3: {  	[sflag:s23] =	ssyncset.done $0x0  }
0xa4: {  	s25 =	simm.s32 $0x1B8E;
	s24 =	sld [smem:$0x3FFE];
	[sflag:s23] =	ssyncadd.s32 $0xFFFFFFFF  }
0xa5: {  	s26 =	simm.s32 $execute0_lowered;
	[smem:$0x3FD2] =	sst s25  }
0xa6: {  	s4 =	sshll.u32 s26, $0x1;
	_ =	strace $0x8000004C;
	[dreg:$0x1] =	wrdreg $0xFFFFFFFF  }
0xa7: {  	s28 =	simm.s32 $_size_execute0_lowered;
	s2 =	sadd.s32 s2, s4;
	[dreg:$0x0] =	wrdreg $0x0  }
0xa8: {  	s4 =	sshll.u32 s28, $0x1;
	[dreg:$0x2] =	wrdreg s2  }
0xa9: {  	[dreg:$0x3] =	wrdreg s4  }
0xaa: {  	[dreg:$0x4] =	wrdreg $0xC0  }
0xab: {  	_ =	task [dreg:s6], $0x5FFFF  }
0xac: {  	[dreg:$0x1] =	wrdreg $0xFFFFFFFF  }
0xad: {  	[dreg:$0x0] =	wrdreg $0x60  }
0xae: {  	[dreg:$0x2] =	wrdreg s24  }
0xaf: {  	[dreg:$0x3] =	wrdreg $0x41000  }
0xb0: {  	[dreg:$0x4] =	wrdreg $0x9  }
0xb1: {  	_ =	task.clear_ibuf [dreg:s6], $0x5FFFF;
	_ =	strace $0x9000004C  }
0xb2: {  	s29 =	simm.s32 $0x9;
	_ =	strace $0x8000004E  }
0xb3: {  	_ =	swait.ge [sflag:s29], $0x1  }
0xb4: {  	[sflag:s29] =	ssyncadd.s32 $0xFFFFFFFF  }
0xb5: {  	_ =	strace $0x9000004E  }
0xb6: {  	_ =	sfence  }
0xb7: {  	s30 =	sld [smem:$0x0];
	_ =	sdelay $0x2  }
0xb8: {  	s31 =	sshll.u32 s1, $0xD;
	s1 =	sshrl.u32 s1, $0x2  }
0xb9: {  	s3 =	sand.u32 $0x4000, s31;
	s1 =	sadd.s32 s1, s30  }
0xba: {  	s0 =	sor.u32 s3, s0;
	s1 =	sshll.u32 s1, $0x11  }
0xbb: {  	s0 =	sor.u32 s1, s0  }
0xbc: {  	s0 =	sadd.s32 $0x8F2B, s0  }
0xbd: {  	[sflag:s0] =	ssyncadd.remote.s32 $0x1  }
0xbe: {  	_ =	sfence.sel $0xFFFF  }
0xbf: {  	[dreg:$0x0] =	wrdreg $0xFFFFFFFF;
	(pc) =	sbr.abs _section_cstart, $3  }
0xc0: {  	[dreg:$0x1] =	wrdreg $0xFFFFFFFF  }
0xc1: {  	_ =	task.clear_ibuf [dreg:s6], $0x2FFFF;
	_ =	strace $0x9FFFFFFF  }
0xc2: {  	(tm) =	ssettm $0x7FFFFFFF  }
0xc3: {  	_ =	shalt  }
tec
execute0_lowered:
.L_overlay_start_1:
0x0: {  	(tag) =	ssettag $0x1  }
0x1: {  	s7 =	rddreg [dreg:$0x0]  }
0x2: {  	s2 =	rddreg [dreg:$0x1]  }
0x3: {  	s0 =	rddreg [dreg:$0x2]  }
0x4: {  	s3 =	simm.s32 $0x0;
	s1 =	stileid.u32;
	s4 =	srdreg.scid  }
0x5: {  	s15 =	simm.s32 $0x100;
	s16 =	simm.s32 $0x1;
	s17 =	simm.s32 $0x0  }
0x6: {  	[smem:$0x7FF] =	sst s3;
	s8 =	smul.u32 $0x14000, s1;
	s9 =	sand.u32 $0x1, s4  }
0x7: {  	s4 =	sadd.s32 $0x2BA00, s7;
	s5 =	sadd.s32 $0x21A00, s7;
	s6 =	sadd.s32 $0x3400, s7  }
0x8: {  	s13 =	smul.u32 $0x50000, s1;
	s31 =	sshll.u32 s1, $0x6;
	_ =	strace $0x8000004D  }
0x9: {  	s10 =	smul.u32 $0x140000, s9;
	s28 =	ssub.s32 $0x2, s9;
	s29 =	sshll.u32 s9, $0x4  }
0xa: {  	s11 =	sshrl.u32 s8, $0x3;
	s12 =	sshrl.u32 s28, $0x1;
	s9 =	sor.u32 s1, s29  }
0xb: {  	s30 =	sshrl.u32 s13, $0x2;
	s11 =	sadd.s32 s11, s7;
	s8 =	sadd.s32 s8, s10  }
0xc: {  	s12 =	ssub.s32 s28, s12;
	s13 =	sadd.s32 s30, s2;
	s8 =	sshrl.u32 s8, $0x3  }
0xd: {  	s9 =	smul.u32 $0x2800, s9;
	s14 =	sadd.s32 s8, s7;
	s7 =	sadd.s32 $0x53A00, s11  }
0xe: {  	s8 =	sor.u32 $0x1C02, s31;
	s11 =	smax.u32 s12, $0x1;
	s12 =	sshrl.u32 s13, $0x3  }
0xf: {  	s13 =	simm.s32 $0x2;
	s10 =	sadd.s32 $0x7BA00, s14;
	s14 =	simm.s32 $0x80  }
.LBB2_1:
0x10: {  	[spmem:s12], [sflag:s8] =	dma.local [hbm:s7], $0x2800  }
0x11: {  	s18 =	sand.u32 $0x3C00, s3  }
0x12: {  	s19 =	sand.u32 $0x380, s3;
	_ =	swait.ge [sflag:s13], $0x2800;
	s18 =	sadd.s32 s9, s18  }
0x13: {  	[sflag:s13] =	ssyncset.done $0x0;
	s18 =	sor.u32 s19, s18  }
0x14: {  	[sflag:s13] =	ssyncadd.s32 $0xFFFFD800;
	s18 =	sshrl.u32 s18, $0x3  }
0x15: {  	[bflag:$0x0] =	sbarrier.arrive $0xFFFF;
	s29 =	sadd.s32 s5, s18  }
0x16: {  	[tilespmem:s3], [sflag:$0x2] =	stream.linear.gather [hbm4b:s29+s3], $0x80, $0x38;
	[tilespmem:$0x18100] =	vst v63  }
0x17: {  	_ =	swait.ge [sflag:s13], $0x80  }
0x18: {  	[sflag:s13] =	ssyncset.done $0x0  }
0x19: {  	s18 =	sadd.s32 s6, s18;
	[sflag:s13] =	ssyncadd.s32 $0xFFFFFF80  }
0x1a: {  	[tilespmem:s14], [sflag:$0x2] =	stream.linear.gather [hbm4b:s18+s3], $0x80, $0x38;
	[tilespmem:$0x18100] =	vst v63  }
0x1b: {  	_ =	swait.ge [sflag:s13], $0x80  }
0x1c: {  	[sflag:s13] =	ssyncset.done $0x0  }
0x1d: {  	[sflag:s13] =	ssyncadd.s32 $0xFFFFFF80  }
0x1e: {  	[tilespmem:s15], [sflag:$0x1] =	stream.indirect.gather [hbm4b:s4+s14], $0x80, s3, s14, $0xb8;
	[tilespmem:$0x18100] =	vst v63  }
0x1f: {  	_ =	swait.ge [sflag:s16], $0x4000  }
0x20: {  	s30 =	simm.s32 $0x80;
	[sflag:s16] =	ssyncset.done $0x0  }
0x21: {  	s31 =	sand.u32 $0x3C00, s30;
	[sflag:s16] =	ssyncadd.s32 $0xFFFFC000  }
0x22: {  	[spmem:s2] =	stream.indirect.scatter.add.f32 [tilespmem:s15], [sflag:$0x2], $0x80, s14, s14, $0xb8;
	[tilespmem:$0x18100] =	vst v63  }
0x23: {  	s20 =	sand.u32 $0x380, s30;
	s19 =	sadd.s32 s9, s31;
	_ =	swait.ge [sflag:s13], $0x4000  }
0x24: {  	s19 =	sor.u32 s20, s19;
	s18 =	simm.s32 $0x100;
	[sflag:s13] =	ssyncset.done $0x0  }
.LBB2_2:
0x25: {  	s19 =	sshrl.u32 s19, $0x3  }
0x26: {  	[sflag:s13] =	ssyncadd.s32 $0xFFFFC000;
	s20 =	smov.u32 s18;
	s21 =	sadd.s32 $0x80, s18  }
0x27: {  	p0 =	sne.s32 s18, $0x2780;
	s18 =	sadd.s32 s5, s19  }
0x28: {  	[tilespmem:s3], [sflag:$0x2] =	stream.linear.gather [hbm4b:s18+s3], $0x80, $0x38;
	[tilespmem:$0x18100] =	vst v63  }
0x29: {  	_ =	swait.ge [sflag:s13], $0x80  }
0x2a: {  	[sflag:s13] =	ssyncset.done $0x0  }
0x2b: {  	s18 =	sadd.s32 s6, s19;
	[sflag:s13] =	ssyncadd.s32 $0xFFFFFF80  }
0x2c: {  	[tilespmem:s14], [sflag:$0x2] =	stream.linear.gather [hbm4b:s18+s3], $0x80, $0x38;
	[tilespmem:$0x18100] =	vst v63  }
0x2d: {  	_ =	swait.ge [sflag:s13], $0x80  }
0x2e: {  	[sflag:s13] =	ssyncset.done $0x0  }
0x2f: {  	[sflag:s13] =	ssyncadd.s32 $0xFFFFFF80  }
0x30: {  	[tilespmem:s15], [sflag:$0x1] =	stream.indirect.gather [hbm4b:s4+s14], $0x80, s3, s14, $0xb8;
	[tilespmem:$0x18100] =	vst v63  }
0x31: {  	_ =	swait.ge [sflag:s16], $0x4000  }
.Ltmp0:
0x32: {  	[sflag:s16] =	ssyncset.done $0x0;
	(pc) =	sbr.rel @p0 .LBB2_2-.Ltmp0, $4  }
0x33: {  	s18 =	sand.u32 $0x3C00, s20;
	[sflag:s16] =	ssyncadd.s32 $0xFFFFC000  }
0x34: {  	[spmem:s2] =	stream.indirect.scatter.add.f32 [tilespmem:s15], [sflag:$0x2], $0x80, s14, s14, $0xb8;
	[tilespmem:$0x18100] =	vst v63  }
0x35: {  	s19 =	sand.u32 $0x380, s20;
	s18 =	sadd.s32 s9, s18;
	_ =	swait.ge [sflag:s13], $0x4000  }
0x36: {  	s19 =	sor.u32 s19, s18;
	s18 =	smov.u32 s21;
	[sflag:s13] =	ssyncset.done $0x0  }
0x37: {  	s18 =	sshrl.u32 s19, $0x3  }
0x38: {  	[sflag:s13] =	ssyncadd.s32 $0xFFFFC000;
	s19 =	sadd.s32 s5, s18  }
0x39: {  	[tilespmem:s3], [sflag:$0x2] =	stream.linear.gather [hbm4b:s19+s3], $0x80, $0x38;
	[tilespmem:$0x18100] =	vst v63  }
0x3a: {  	_ =	swait.ge [sflag:s13], $0x80  }
0x3b: {  	[sflag:s13] =	ssyncset.done $0x0  }
0x3c: {  	s18 =	sadd.s32 s6, s18;
	[sflag:s13] =	ssyncadd.s32 $0xFFFFFF80  }
0x3d: {  	[tilespmem:s14], [sflag:$0x2] =	stream.linear.gather [hbm4b:s18+s3], $0x80, $0x38;
	[tilespmem:$0x18100] =	vst v63  }
0x3e: {  	_ =	swait.ge [sflag:s13], $0x80  }
0x3f: {  	[sflag:s13] =	ssyncset.done $0x0  }
0x40: {  	[sflag:s13] =	ssyncadd.s32 $0xFFFFFF80  }
0x41: {  	[tilespmem:s15], [sflag:$0x1] =	stream.indirect.gather [hbm4b:s4+s14], $0x80, s3, s14, $0xb8;
	[tilespmem:$0x18100] =	vst v63  }
0x42: {  	_ =	swait.ge [sflag:s16], $0x4000  }
0x43: {  	[sflag:s16] =	ssyncset.done $0x0  }
0x44: {  	[sflag:s16] =	ssyncadd.s32 $0xFFFFC000  }
0x45: {  	[spmem:s2] =	stream.indirect.scatter.add.f32 [tilespmem:s15], [sflag:$0x2], $0x80, s14, s14, $0xb8;
	[tilespmem:$0x18100] =	vst v63  }
0x46: {  	_ =	swait.ge [sflag:s13], $0x4000  }
0x47: {  	s17 =	sadd.s32 $0x1, s17;
	[sflag:s13] =	ssyncset.done $0x0  }
0x48: {  	p0 =	sne.s32 s17, s11;
	[sflag:s13] =	ssyncadd.s32 $0xFFFFC000  }
.Ltmp1:
0x49: {  	[bflag:$0x0] =	sbarrier.arrive $0xFFFF;
	(pc) =	sbr.rel @p0 .LBB2_1-.Ltmp1, $4  }
0x4a: {  	[hbm:s10], [sflag:s8] =	dma.local [spmem:s12], $0x2800  }
0x4b: {  	_ =	swait.ge [sflag:s13], $0x2800  }
0x4c: {  	[sflag:s13] =	ssyncset.done $0x0  }
0x4d: {  	[sflag:s13] =	ssyncadd.s32 $0xFFFFD800  }
0x4e: {  	_ =	sfence.sel $0x180000  }
0x4f: {  	[bflag:$0x0] =	sbarrier.arrive $0xFFFF  }
0x50: {  	p0 =	sne.s32 s1, $0x0;
	_ =	strace $0x9000004D  }
0x51: {  	s0 =	sadd.s32 @!p0 $0x100000, s0;
	[bflag:$0x2] =	sbarrier.arrive $0xFFFF  }
0x52: {  	[sflag:s0] =	ssyncadd.tile.s32 @!p0 $0x1;
	_ =	shalt  }
.Lfunc_end2:
_tile_overlayer_lowered:
.L_overlay_start_2:
0x53: {  	(tag) =	ssettag $0x2  }
0x54: {  	s0 =	rddreg [dreg:$0x0];
	s2 =	stileid.u32  }
0x55: {  	s1 =	rddreg [dreg:$0x1];
	p0 =	sne.s32 s2, $0x0  }
0x56: {  	s3 =	rddreg [dreg:$0x2];
	[bflag:$0x3] =	sbarrier.arrive $0xFFFF;
	s2 =	simm.s32 @!p0 $0x1C02  }
0x57: {  	[timem:s3], [sflag:s2] =	dma.local @!p0 [hbm:s0], s1  }
0x58: {  	s0 =	simm.s32 @!p0 $0x2  }
0x59: {  	_ =	swait.ge @!p0 [sflag:s0], s1  }
0x5a: {  	s1 =	ssub.s32 @!p0 $0x0, s1;
	[sflag:s0] =	ssyncset.done @!p0 $0x0  }
0x5b: {  	[sflag:s0] =	ssyncadd.s32 @!p0 s1  }
0x5c: {  	[bflag:$0x3] =	sbarrier.arrive $0xFFFF  }
0x5d: {  	_ =	shalt  }

// kernel: kernel.8.cloned.1.call-start
scs
__scs_entry_jumppad:
0x0: {  	(pc) =	sbr.rel $0x88, $3  }
0x1: {  	(tag) =	ssettag $0x0;
	lr =	simm.s32 $0x1  }
0x2: {  	[smem:$0x3F93] =	sst lr;
	_ =	strace $0xD0000000  }
0x3: {  	_ = 	snop  }
0x4: {  	_ = 	snop  }
0x5: {  	_ = 	snop  }
0x6: {  	_ = 	snop  }
0x7: {  	_ = 	snop  }
__scs_overlays_trampoline_lowered:
0x8: {  	[smem:$0x3FA2] =	sst s0  }
0x9: {  	[smem:$0x3FA3] =	sst s1  }
0xa: {  	[smem:$0x3FA4] =	sst s2  }
0xb: {  	[smem:$0x3FA5] =	sst s3  }
0xc: {  	[smem:$0x3FA6] =	sst s4  }
0xd: {  	[smem:$0x3FA7] =	sst s5  }
0xe: {  	[smem:$0x3FA8] =	sst s6  }
0xf: {  	[smem:$0x3FA9] =	sst s7  }
0x10: {  	[smem:$0x3FAA] =	sst s8  }
0x11: {  	[smem:$0x3FAB] =	sst s9;
	s0 =	simm.s32 @!p0 $0x0  }
0x12: {  	s1 =	sld [smem:$0x3F91];
	s0 =	simm.s32 @p0 $0x1  }
0x13: {  	[smem:$0x3FAC] =	sst s0;
	s0 =	simm.s32 @!p1 $0x0  }
0x14: {  	s2 =	sld [smem:$0x3F90];
	s0 =	simm.s32 @p1 $0x1  }
0x15: {  	[smem:$0x3FAD] =	sst s0;
	s0 =	simm.s32 @!p2 $0x0  }
0x16: {  	s3 =	sld [smem:$0x3FDB];
	s0 =	simm.s32 @p2 $0x1  }
0x17: {  	s4 =	simm.s32 $0x1BF5;
	[smem:$0x3FAF] =	sst s0  }
0x18: {  	s0 =	sld [smem:$0x3F92];
	_ =	swait.ge [sflag:s4], $0x0  }
0x19: {  	s7 =	sld [smem:$0x3F93]  }
0x1a: {  	s8 =	sadd.s32 $0xFFFFE003, lr  }
0x1b: {  	s9 =	sadd.s32 $0xFFFFFEF7, lr;
	s5 =	simm.s32 $0xFFFFFFFF;
	p2 =	slt.u32 s8, $0xFFFFF086  }
0x1c: {  	p1 =	slt.u32 s9, $0xF7A;
	s5 =	simm.s32 @!p2 $0x0  }
0x1d: {  	s5 =	simm.s32 @p1 $0x1;
	p0 =	seq.s32 s7, s2  }
0x1e: {  	s7 =	smul.u32 @!p0 $0xF7A, s2;
	p2 =	seq.s32 @!p0 s5, $0x0  }
0x1f: {  	s9 =	smul.u32 $0xF7A, s1;
	s8 =	simm.s32 @!p0 $0x1BF5;
	p2 =	por !p2, p0  }
0x20: {  	[sflag:s8] =	ssyncset.s32 @!p0 $0xFFFFF086;
	s6 =	sadd.s32 @!p0 s3, s7;
	s7 =	simm.s32 @!p0 $0x108  }
0x21: {  	s3 =	sadd.s32 s3, s9;
	s6 =	sadd.s32 @!p0 $0x88, s6;
	s7 =	simm.s32 @p2 $0x1082  }
0x22: {  	[simem:s7], [sflag:s8] =	dma.local @!p0 [hbm:s6], $0xF7A  }
0x23: {  	s9 =	sor.u32 $0xD0000000, s2;
	s6 =	simm.s32 $0x108;
	_ =	swait.ge @!p0 [sflag:s8], $0x0  }
0x24: {  	s3 =	sadd.s32 $0x88, s3;
	s6 =	simm.s32 @!p1 $0x1082;
	[sflag:s4] =	ssyncset.s32 $0xFFFFF086  }
0x25: {  	[simem:s6], [sflag:s4] =	dma.local [hbm:s3], $0xF7A  }
0x26: {  	[smem:$0x3F93] =	sst s1;
	(tag) =	ssettag s2;
	_ =	strace s9  }
0x27: {  	s1 =	sld [smem:$0x3FA3]  }
0x28: {  	s2 =	sld [smem:$0x3FA4]  }
0x29: {  	s4 =	sld [smem:$0x3FA6]  }
0x2a: {  	p0 =	seq.s32 s5, $0x0;
	s5 =	sld [smem:$0x3FA7]  }
0x2b: {  	s6 =	sld [smem:$0x3FA8]  }
0x2c: {  	s7 =	sld [smem:$0x3FA9]  }
0x2d: {  	s3 =	simm.s32 $0x108;
	s8 =	sld [smem:$0x3FAA]  }
0x2e: {  	s3 =	simm.s32 @!p0 $0x1082;
	s9 =	sld [smem:$0x3FAB]  }
0x2f: {  	lr =	sadd.s32 s0, s3;
	s0 =	sld [smem:$0x3FA2]  }
0x30: {  	s3 =	sld [smem:$0x3FA5]  }
0x31: {  	[smem:$0x3FAE] =	sst s10  }
0x32: {  	s10 =	sld [smem:$0x3FAC];
	_ =	sdelay $0x3  }
0x33: {  	p0 =	seq.s32 s10, $0x1;
	s10 =	sld [smem:$0x3FAE];
	_ =	sdelay $0x3  }
0x34: {  	[smem:$0x3FAE] =	sst s10  }
0x35: {  	s10 =	sld [smem:$0x3FAD];
	_ =	sdelay $0x3  }
0x36: {  	p1 =	seq.s32 s10, $0x1;
	s10 =	sld [smem:$0x3FAE];
	_ =	sdelay $0x3  }
0x37: {  	[smem:$0x3FAE] =	sst s10  }
0x38: {  	s10 =	sld [smem:$0x3FAF]  }
0x39: {  	_ = 	snop;
	(pc) =	sbr.ind lr, $3  }
0x3a: {  	_ = 	snop  }
0x3b: {  	_ = 	snop  }
0x3c: {  	p2 =	seq.s32 s10, $0x1;
	s10 =	sld [smem:$0x3FAE]  }
0x3d: {  	_ =	shalt  }
0x3e: {  	_ =	shalt  }
0x3f: {  	_ =	shalt  }
0x40: {  	_ =	shalt  }
0x41: {  	_ =	shalt  }
0x42: {  	_ =	shalt  }
0x43: {  	_ =	shalt  }
0x44: {  	_ =	shalt  }
0x45: {  	_ =	shalt  }
0x46: {  	_ =	shalt  }
0x47: {  	_ =	shalt  }
0x48: {  	_ =	shalt  }
0x49: {  	_ =	shalt  }
0x4a: {  	_ =	shalt  }
0x4b: {  	_ =	shalt  }
0x4c: {  	_ =	shalt  }
0x4d: {  	_ =	shalt  }
0x4e: {  	_ =	shalt  }
0x4f: {  	_ =	shalt  }
0x50: {  	_ =	shalt  }
0x51: {  	_ =	shalt  }
0x52: {  	_ =	shalt  }
0x53: {  	_ =	shalt  }
0x54: {  	_ =	shalt  }
0x55: {  	_ =	shalt  }
0x56: {  	_ =	shalt  }
0x57: {  	_ =	shalt  }
0x58: {  	_ =	shalt  }
0x59: {  	_ =	shalt  }
0x5a: {  	_ =	shalt  }
0x5b: {  	_ =	shalt  }
0x5c: {  	_ =	shalt  }
0x5d: {  	_ =	shalt  }
0x5e: {  	_ =	shalt  }
0x5f: {  	_ =	shalt  }
0x60: {  	_ =	shalt  }
0x61: {  	_ =	shalt  }
0x62: {  	_ =	shalt  }
0x63: {  	_ =	shalt  }
0x64: {  	_ =	shalt  }
0x65: {  	_ =	shalt  }
0x66: {  	_ =	shalt  }
0x67: {  	_ =	shalt  }
0x68: {  	_ =	shalt  }
0x69: {  	_ =	shalt  }
0x6a: {  	_ =	shalt  }
0x6b: {  	_ =	shalt  }
0x6c: {  	_ =	shalt  }
0x6d: {  	_ =	shalt  }
0x6e: {  	_ =	shalt  }
0x6f: {  	_ =	shalt  }
0x70: {  	_ =	shalt  }
0x71: {  	_ =	shalt  }
0x72: {  	_ =	shalt  }
0x73: {  	_ =	shalt  }
0x74: {  	_ =	shalt  }
0x75: {  	_ =	shalt  }
0x76: {  	_ =	shalt  }
0x77: {  	_ =	shalt  }
0x78: {  	_ =	shalt  }
0x79: {  	_ =	shalt  }
0x7a: {  	_ =	shalt  }
0x7b: {  	_ =	shalt  }
0x7c: {  	_ =	shalt  }
0x7d: {  	_ =	shalt  }
0x7e: {  	_ =	shalt  }
0x7f: {  	_ =	shalt  }
0x80: {  	_ =	shalt  }
0x81: {  	_ =	shalt  }
0x82: {  	_ =	shalt  }
0x83: {  	_ =	shalt  }
0x84: {  	_ =	shalt  }
0x85: {  	_ =	shalt  }
0x86: {  	_ =	shalt  }
0x87: {  	_ =	shalt  }
.Lfunc_end0:
.L_simem_size_0:
called_computation_lowered:
.L_overlay_start_0:
0x88: {  	s2 =	sld [smem:$0x3FD9]  }
0x89: {  	s3 =	sld [smem:$0x3FFE];
	_ =	sdelay $0x1  }
0x8a: {  	s1 =	srdreg.scid  }
0x8b: {  	s0 =	sand.u32 $0x1, s1  }
0x8c: {  	s16 =	sshll.u32 s0, $0xA;
	s2 =	sadd.s32 s3, s2  }
0x8d: {  	s2 =	sadd.s32 s2, s16  }
0x8e: {  	[smem:$0x3FBA] =	sst s2  }
0x8f: {  	_ = 	snop  }
0x90: {  	(tm) =	ssettm $0x1  }
0x91: {  	s17 =	sld [smem:$0x3FFB];
	_ =	sdelay $0x3  }
0x92: {  	_ =	strace s17  }
0x93: {  	s2 =	sld [smem:$0x3FFC];
	_ =	sdelay $0x3  }
0x94: {  	_ =	strace s2  }
0x95: {  	s2 =	sld [smem:$0x3FFD];
	_ =	sdelay $0x3  }
0x96: {  	_ =	strace s2  }
0x97: {  	_ =	strace $0x8FFFFFFF  }
0x98: {  	s18 =	sld [smem:$0x3FDB];
	_ =	sdelay $0x1  }
0x99: {  	s19 =	simm.s32 $_scs_section_size  }
0x9a: {  	s4 =	simm.s32 $_size__tile_overlayer_lowered;
	s5 =	simm.s32 $_tile_overlayer_lowered  }
0x9b: {  	s22 =	simm.s32 $0x1BFF;
	s21 =	sshll.u32 s5, $0x1;
	s2 =	sadd.s32 s19, s18  }
0x9c: {  	s6 =	simm.s32 $0x0;
	s20 =	sshll.u32 s4, $0x1;
	s4 =	sadd.s32 s21, s2  }
0x9d: {  	[timem:s6], [sflag:s22] =	dma.local [hbm:s4], s20  }
0x9e: {  	_ =	swait.ge [sflag:s22], s20  }
0x9f: {  	s3 =	ssub.s32 $0x0, s20;
	[sflag:s22] =	ssyncset.done $0x0  }
0xa0: {  	[sflag:s22] =	ssyncadd.s32 s3;
	_ =	sdelay $0x1  }
0xa1: {  	s23 =	simm.s32 $0x1B8B  }
0xa2: {  	_ =	swait.ge [sflag:s23], $0x1  }
0xa3: {  	[sflag:s23] =	ssyncset.done $0x0  }
0xa4: {  	s25 =	simm.s32 $0x1B8E;
	s24 =	sld [smem:$0x3FFE];
	[sflag:s23] =	ssyncadd.s32 $0xFFFFFFFF  }
0xa5: {  	s26 =	simm.s32 $execute0_lowered;
	[smem:$0x3FD2] =	sst s25  }
0xa6: {  	s4 =	sshll.u32 s26, $0x1;
	_ =	strace $0x80000046;
	[dreg:$0x1] =	wrdreg $0xFFFFFFFF  }
0xa7: {  	s28 =	simm.s32 $_size_execute0_lowered;
	s2 =	sadd.s32 s2, s4;
	[dreg:$0x0] =	wrdreg $0x0  }
0xa8: {  	s4 =	sshll.u32 s28, $0x1;
	[dreg:$0x2] =	wrdreg s2  }
0xa9: {  	[dreg:$0x3] =	wrdreg s4  }
0xaa: {  	[dreg:$0x4] =	wrdreg $0xC0  }
0xab: {  	_ =	task [dreg:s6], $0x5FFFF  }
0xac: {  	[dreg:$0x1] =	wrdreg $0xFFFFFFFF  }
0xad: {  	[dreg:$0x0] =	wrdreg $0x60  }
0xae: {  	[dreg:$0x2] =	wrdreg s24  }
0xaf: {  	[dreg:$0x3] =	wrdreg $0x9  }
0xb0: {  	_ =	task.clear_ibuf [dreg:s6], $0x4FFFF;
	_ =	strace $0x90000046  }
0xb1: {  	s29 =	simm.s32 $0x9;
	_ =	strace $0x80000048  }
0xb2: {  	_ =	swait.ge [sflag:s29], $0x1  }
0xb3: {  	[sflag:s29] =	ssyncadd.s32 $0xFFFFFFFF  }
0xb4: {  	_ =	strace $0x90000048  }
0xb5: {  	_ =	sfence  }
0xb6: {  	s30 =	sld [smem:$0x0];
	_ =	sdelay $0x2  }
0xb7: {  	s31 =	sshll.u32 s1, $0xD;
	s1 =	sshrl.u32 s1, $0x2  }
0xb8: {  	s3 =	sand.u32 $0x4000, s31;
	s1 =	sadd.s32 s1, s30  }
0xb9: {  	s0 =	sor.u32 s3, s0;
	s1 =	sshll.u32 s1, $0x11  }
0xba: {  	s0 =	sor.u32 s1, s0  }
0xbb: {  	s0 =	sadd.s32 $0x8F2B, s0  }
0xbc: {  	[sflag:s0] =	ssyncadd.remote.s32 $0x1  }
0xbd: {  	_ =	sfence.sel $0xFFFF  }
0xbe: {  	[dreg:$0x0] =	wrdreg $0xFFFFFFFF;
	(pc) =	sbr.abs _section_cstart, $3  }
0xbf: {  	[dreg:$0x1] =	wrdreg $0xFFFFFFFF  }
0xc0: {  	_ =	task.clear_ibuf [dreg:s6], $0x2FFFF;
	_ =	strace $0x9FFFFFFF  }
0xc1: {  	(tm) =	ssettm $0x7FFFFFFF  }
tec
execute0_lowered:
.L_overlay_start_1:
0x0: {  	(tag) =	ssettag $0x1  }
0x1: {  	s0 =	srdreg.scid  }
0x2: {  	s3 =	sand.u32 $0x1, s0  }
0x3: {  	s4 =	rddreg [dreg:$0x0];
	s0 =	stileid.u32;
	s1 =	sshll.u32 s3, $0x4  }
0x4: {  	s2 =	simm.s32 $0x0;
	s7 =	simm.s32 $0x2800;
	s1 =	sor.u32 s0, s1  }
0x5: {  	s8 =	simm.s32 $0x1;
	s9 =	simm.s32 $0x80;
	s1 =	sshrl.u32 s1, $0x3  }
0x6: {  	s10 =	simm.s32 $0x400;
	s6 =	sshll.u32 s0, $0x7;
	s5 =	smul.u32 $0x14000, s1  }
0x7: {  	s11 =	simm.s32 $0x0;
	[smem:$0x7FF] =	sst s2;
	s6 =	sand.u32 $0x380, s6  }
0x8: {  	s30 =	ssub.s32 $0x2, s3;
	s3 =	sadd.s32 $0x17400, s4;
	s5 =	sor.u32 s6, s5  }
0x9: {  	s31 =	sshrl.u32 s30, $0x1;
	s1 =	rddreg [dreg:$0x1];
	s5 =	sshrl.u32 s5, $0x3  }
0xa: {  	_ =	strace $0x80000047;
	s6 =	ssub.s32 s30, s31;
	s5 =	sadd.s32 s5, s4  }
0xb: {  	v0 =	vimm.f32 $1.000000000e+00;
	s6 =	smax.u32 s6, $0x1;
	s4 =	sadd.s32 $0xD400, s5;
	s5 =	sadd.s32 $0x17A00, s5  }
.LBB2_1:
0xc: {  	[tilespmem:s7], [sflag:$0x1] =	stream.linear.gather [hbm4b:s3+s2], $0x2800, $0x38;
	[tilespmem:$0x5000] =	vst v63  }
0xd: {  	_ =	swait.ge [sflag:s8], $0x2800  }
0xe: {  	[sflag:s8] =	ssyncset.done $0x0  }
0xf: {  	[sflag:s8] =	ssyncadd.s32 $0xFFFFD800  }
0x10: {  	[tilespmem:s2], [sflag:$0x1] =	stream.strided.gather [hbm4b:s4+s9], $0x2800, s10, s9, $0x38;
	[tilespmem:$0x5000] =	vst v63  }
0x11: {  	_ =	swait.ge [sflag:s8], $0x2800  }
0x12: {  	[sflag:s8] =	ssyncset.done $0x0  }
0x13: {  	s13 =	simm.s32 $0x0;
	s12 =	simm.s32 $0x40;
	[sflag:s8] =	ssyncadd.s32 $0xFFFFD800  }
.LBB2_2:
0x14: {  	p0 =	sne.s32 s12, $0x9FC0;
	v1 =	vld [tilespmem:s13+$0x0];
	_ =	sdelay $0x3  }
.Ltmp0:
0x15: {  	(pc) =	sbr.rel @p0 .LBB2_2-.Ltmp0, $2  }
0x16: {  	_ =	sdelay $0x2  }
0x17: {  	s13 =	sshra.s32 s12, $0x2;
	s12 =	sadd.s32 $0x40, s12;
	[tilespmem:v1+s7+$0x0] =	vst.idx.add.f32.msk $0xffff, v0  }
0x18: {  	v1 =	vld [tilespmem:s13+$0x0];
	_ =	sdelay $0x5  }
0x19: {  	s11 =	sadd.s32 $0x1, s11  }
0x1a: {  	p0 =	sne.s32 s11, s6  }
.Ltmp1:
0x1b: {  	[tilespmem:v1+s7+$0x0] =	vst.idx.add.f32.msk $0xffff, v0;
	(pc) =	sbr.rel @p0 .LBB2_1-.Ltmp1, $4  }
0x1c: {  	[hbm4b:s5+s9] =	stream.strided.scatter [tilespmem:s7], [sflag:$0x1], $0x2800, s10, s9, $0x38;
	[tilespmem:$0x5000] =	vst v63  }
0x1d: {  	_ =	swait.ge [sflag:s8], $0x2800  }
0x1e: {  	[sflag:s8] =	ssyncset.done $0x0  }
0x1f: {  	[sflag:s8] =	ssyncadd.s32 $0xFFFFD800  }
0x20: {  	_ =	sfence.sel $0x180000  }
0x21: {  	[bflag:$0x0] =	sbarrier.arrive $0xFFFF  }
0x22: {  	p0 =	sne.s32 s0, $0x0;
	_ =	strace $0x90000047  }
0x23: {  	s0 =	sadd.s32 @!p0 $0x100000, s1;
	[bflag:$0x2] =	sbarrier.arrive $0xFFFF  }
0x24: {  	[sflag:s0] =	ssyncadd.tile.s32 @!p0 $0x1;
	_ =	shalt  }
.Lfunc_end2:
_tile_overlayer_lowered:
.L_overlay_start_2:
0x25: {  	(tag) =	ssettag $0x2  }
0x26: {  	s0 =	rddreg [dreg:$0x0];
	s2 =	stileid.u32  }
0x27: {  	s1 =	rddreg [dreg:$0x1];
	p0 =	sne.s32 s2, $0x0  }
0x28: {  	s3 =	rddreg [dreg:$0x2];
	[bflag:$0x3] =	sbarrier.arrive $0xFFFF;
	s2 =	simm.s32 @!p0 $0x1C01  }
0x29: {  	[timem:s3], [sflag:s2] =	dma.local @!p0 [hbm:s0], s1  }
0x2a: {  	s0 =	simm.s32 @!p0 $0x1  }
0x2b: {  	_ =	swait.ge @!p0 [sflag:s0], s1  }
0x2c: {  	s1 =	ssub.s32 @!p0 $0x0, s1;
	[sflag:s0] =	ssyncset.done @!p0 $0x0  }
0x2d: {  	[sflag:s0] =	ssyncadd.s32 @!p0 s1  }
0x2e: {  	[bflag:$0x3] =	sbarrier.arrive $0xFFFF  }
0x2f: {  	_ =	shalt  }

</sc_bundles>
